<compile_context>
chip_gen: v7x
topology: tpu7x:2x2x1
jax: 0.10.2.dev20260603
libtpu: 0.0.44.dev20260713+nightly
codegen_flags: <defaults>
</compile_context>

<pallas_src>
import jax
import jax.numpy as jnp
from jax import lax
from jax.experimental import pallas as pl
from jax.experimental.pallas import tpu as pltpu
from jax.experimental.pallas import tpu_sc as plsc

_NUM_CLASSES = 1000000
_HIDDEN = 64
_BATCH = 16384

_NC = 2
_NS = 16
_LANES = 16
_NW = _NC * _NS
_BPW = _BATCH // _NW
_CHUNK = 128
_NCHUNK = _BPW // _CHUNK


def _emb_kernel(labels_hbm, drops_hbm, table_hbm, out_hbm,
                drops_v, idx_v, dr_v, rows_v, gsem, dsem):
    wid = lax.axis_index("s") * _NC + lax.axis_index("c")
    base = wid * _BPW

    pltpu.sync_copy(drops_hbm.at[pl.ds(base, _BPW)], drops_v)

    pltpu.sync_copy(labels_hbm.at[wid], idx_v)

    pltpu.async_copy(table_hbm.at[pl.ds(_NUM_CLASSES, 1)], dr_v, dsem).wait()

    copies = [
        pltpu.async_copy(table_hbm.at[idx_v.at[j]], rows_v.at[j], gsem)
        for j in range(_NCHUNK)
    ]
    for cp in copies:
        cp.wait()

    drj = [dr_v[0, pl.ds(j * _LANES, _LANES)] for j in range(_HIDDEN // _LANES)]

    def fix(g, carry):
        dvec = drops_v[pl.ds(g * _LANES, _LANES)]
        for k in range(_LANES):
            @pl.when(dvec[k] == 1)
            def _():
                i = g * _LANES + k
                row = rows_v.at[i // _CHUNK].at[lax.rem(i, _CHUNK)]
                for j in range(_HIDDEN // _LANES):
                    row[pl.ds(j * _LANES, _LANES)] = drj[j]
        return carry

    lax.fori_loop(0, _BPW // _LANES, fix, 0)

    for j in range(_NCHUNK):
        pltpu.sync_copy(rows_v.at[j],
                        out_hbm.at[pl.ds(base + j * _CHUNK, _CHUNK)])


@jax.jit
def _embed(labels, drops, table):
    mesh = plsc.VectorSubcoreMesh(core_axis_name="c", subcore_axis_name="s")
    return pl.kernel(
        _emb_kernel,
        mesh=mesh,
        out_type=jax.ShapeDtypeStruct((_BATCH, _HIDDEN), jnp.float32),
        scratch_types=[
            pltpu.VMEM((_BPW,), jnp.int32),
            pltpu.VMEM((_NCHUNK, _CHUNK), jnp.int32),
            pltpu.VMEM((1, _HIDDEN), jnp.float32),
            pltpu.VMEM((_NCHUNK, _CHUNK, _HIDDEN), jnp.float32),
            pltpu.SemaphoreType.DMA,
            pltpu.SemaphoreType.DMA,
        ],
        compiler_params=pltpu.CompilerParams(use_tc_tiling_on_sc=False),
    )(labels, drops, table)


def kernel(class_labels, train, force_drop_ids, table):
    del train
    return _embed(class_labels.astype(jnp.int32).reshape(_NW, _NCHUNK, _CHUNK),
                  force_drop_ids.astype(jnp.int32), table)

# --- scband reference (transcript-rebuilt; emitter-appended) ---
"""Pipeline reference for scband-label-embedder-1975684956821 (READ-ONLY COPY).

The authoritative reference and input builder live on the scoring server;
editing this copy changes nothing except your own understanding.
"""

import jax, jax.numpy as jnp
import numpy as np

NUM_CLASSES = 1000000
HIDDEN_SIZE = 64
BATCH = 16384

def setup_inputs(seed: int = 0) -> dict:
    key = jax.random.key(seed)
    k1, k2, k3 = jax.random.split(key, 3)
    class_labels = jax.random.randint(k1, (BATCH,), 0, NUM_CLASSES, dtype=jnp.int64 if jax.config.jax_enable_x64 else jnp.int32)
    force_drop_ids = jax.random.randint(k2, (BATCH,), 0, 2, dtype=class_labels.dtype)
    # embedding table has num_classes + 1 rows because dropout_prob > 0
    table = jax.random.normal(k3, (NUM_CLASSES + 1, HIDDEN_SIZE), dtype=jnp.float32) * 0.02
    return {"class_labels": class_labels, "train": 0, "force_drop_ids": force_drop_ids, "table": table}

def reference(class_labels, train, force_drop_ids, table):
    # force_drop_ids is not None -> token_drop is applied regardless of train
    drop_ids = force_drop_ids == 1
    labels = jnp.where(drop_ids, NUM_CLASSES, class_labels)
    return jnp.take(table, labels, axis=0)

if __name__ == "__main__":
    import jax
    _d = setup_inputs()
    print(jax.jit(kernel)(*tuple(_d.values())))

</pallas_src>

<mosaic_0001>
#map = affine_map<(d0, d1) -> (0, 0, 0)>
#map1 = affine_map<(d0, d1) -> (0)>
#map2 = affine_map<(d0, d1) -> (0, 0)>
module attributes {stable_mosaic.version = 14 : i64} {
  func.func @_emb_kernel(%arg0: i32, %arg1: i32, %arg2: memref<32x4x128xi32, #tpu.memory_space<hbm>>, %arg3: memref<16384xi32, #tpu.memory_space<hbm>>, %arg4: memref<1000001x64xf32, #tpu.memory_space<hbm>>, %arg5: memref<16384x64xf32, #tpu.memory_space<hbm>>, %arg6: memref<512xi32, #tpu.memory_space<vmem>>, %arg7: memref<4x128xi32, #tpu.memory_space<vmem>>, %arg8: memref<1x64xf32, #tpu.memory_space<vmem>>, %arg9: memref<4x128x64xf32, #tpu.memory_space<vmem>>, %arg10: memref<!tpu.dma_semaphore, #tpu.memory_space<semaphore_mem>>, %arg11: memref<!tpu.dma_semaphore, #tpu.memory_space<semaphore_mem>>) attributes {dimension_semantics = [#tpu.dimension_semantics<core_parallel>, #tpu.dimension_semantics<subcore_parallel>], iteration_bounds = array<i64: 2, 16>, scalar_prefetch = 0 : i64, scratch_operands = 6 : i64, tpu.core_type = #tpu.core_type<sc_vector_subcore>, window_params = [{transform_indices = #map}, {transform_indices = #map1}, {transform_indices = #map2}, {transform_indices = #map2}]} {
    %mul3A = arith.constant 2 : i32
    %mul3A_0 = arith.muli %arg1, %mul3A : i32
    %add3A = arith.addi %mul3A_0, %arg0 : i32
    %mul3A_1 = arith.constant 512 : i32
    %mul3A_2 = arith.muli %add3A, %mul3A_1 : i32
    "tpu.region"() ({
      %run_scoped3A_144 = tpu.sem_alloc : memref<!tpu.dma_semaphore, #tpu.memory_space<semaphore_mem>>
      %dma_start3A_145 = tpu.memref_slice %arg3[%mul3A_2] : memref<16384xi32, #tpu.memory_space<hbm>> -> memref<512xi32, #tpu.memory_space<hbm>>
      %dma_start3A_146 = tpu.memref_slice %arg3[%mul3A_2] : memref<16384xi32, #tpu.memory_space<hbm>> -> memref<512xi32, #tpu.memory_space<hbm>>
      tpu.enqueue_dma source(%dma_start3A_146 : memref<512xi32, #tpu.memory_space<hbm>>) target(%arg6 : memref<512xi32, #tpu.memory_space<vmem>>) target_semaphore(%run_scoped3A_144 : memref<!tpu.dma_semaphore, #tpu.memory_space<semaphore_mem>>)
      %dma_wait3A_147 = tpu.memref_slice %arg3[%mul3A_2] : memref<16384xi32, #tpu.memory_space<hbm>> -> memref<512xi32, #tpu.memory_space<hbm>>
      %dma_wait3A_148 = tpu.memref_slice %arg3[%mul3A_2] : memref<16384xi32, #tpu.memory_space<hbm>> -> memref<512xi32, #tpu.memory_space<hbm>>
      tpu.wait_dma2 semaphore(%run_scoped3A_144 : memref<!tpu.dma_semaphore, #tpu.memory_space<semaphore_mem>>) src(%dma_wait3A_148 : memref<512xi32, #tpu.memory_space<hbm>>) dst(%arg6 : memref<512xi32, #tpu.memory_space<vmem>>)
      tpu.yield
    }) : () -> ()
    "tpu.region"() ({
      %run_scoped3A_144 = tpu.sem_alloc : memref<!tpu.dma_semaphore, #tpu.memory_space<semaphore_mem>>
      %dma_start3A_145 = arith.constant 0 : i32
      %dma_start3A_146 = arith.constant 0 : i32
      %dma_start3A_147 = tpu.memref_slice %arg2[%add3A, %dma_start3A_145, %dma_start3A_146] : memref<32x4x128xi32, #tpu.memory_space<hbm>> -> memref<1x4x128xi32, #tpu.memory_space<hbm>>
      %dma_start3A_148 = tpu.memref_squeeze %dma_start3A_147 : memref<1x4x128xi32, #tpu.memory_space<hbm>> -> memref<4x128xi32, #tpu.memory_space<hbm>>
      %dma_start3A_149 = arith.constant 0 : i32
      %dma_start3A_150 = arith.constant 0 : i32
      %dma_start3A_151 = tpu.memref_slice %arg2[%add3A, %dma_start3A_149, %dma_start3A_150] : memref<32x4x128xi32, #tpu.memory_space<hbm>> -> memref<1x4x128xi32, #tpu.memory_space<hbm>>
      %dma_start3A_152 = tpu.memref_squeeze %dma_start3A_151 : memref<1x4x128xi32, #tpu.memory_space<hbm>> -> memref<4x128xi32, #tpu.memory_space<hbm>>
      tpu.enqueue_dma source(%dma_start3A_152 : memref<4x128xi32, #tpu.memory_space<hbm>>) target(%arg7 : memref<4x128xi32, #tpu.memory_space<vmem>>) target_semaphore(%run_scoped3A_144 : memref<!tpu.dma_semaphore, #tpu.memory_space<semaphore_mem>>)
      %dma_wait3A_153 = arith.constant 0 : i32
      %dma_wait3A_154 = arith.constant 0 : i32
      %dma_wait3A_155 = tpu.memref_slice %arg2[%add3A, %dma_wait3A_153, %dma_wait3A_154] : memref<32x4x128xi32, #tpu.memory_space<hbm>> -> memref<1x4x128xi32, #tpu.memory_space<hbm>>
      %dma_wait3A_156 = tpu.memref_squeeze %dma_wait3A_155 : memref<1x4x128xi32, #tpu.memory_space<hbm>> -> memref<4x128xi32, #tpu.memory_space<hbm>>
      %dma_wait3A_157 = arith.constant 0 : i32
      %dma_wait3A_158 = arith.constant 0 : i32
      %dma_wait3A_159 = tpu.memref_slice %arg2[%add3A, %dma_wait3A_157, %dma_wait3A_158] : memref<32x4x128xi32, #tpu.memory_space<hbm>> -> memref<1x4x128xi32, #tpu.memory_space<hbm>>
      %dma_wait3A_160 = tpu.memref_squeeze %dma_wait3A_159 : memref<1x4x128xi32, #tpu.memory_space<hbm>> -> memref<4x128xi32, #tpu.memory_space<hbm>>
      tpu.wait_dma2 semaphore(%run_scoped3A_144 : memref<!tpu.dma_semaphore, #tpu.memory_space<semaphore_mem>>) src(%dma_wait3A_160 : memref<4x128xi32, #tpu.memory_space<hbm>>) dst(%arg7 : memref<4x128xi32, #tpu.memory_space<vmem>>)
      tpu.yield
    }) : () -> ()
    %dma_start3A = arith.constant 1000000 : i32
    %dma_start3A_3 = arith.constant 0 : i32
    %dma_start3A_4 = tpu.memref_slice %arg4[%dma_start3A, %dma_start3A_3] : memref<1000001x64xf32, #tpu.memory_space<hbm>> -> memref<1x64xf32, #tpu.memory_space<hbm>>
    %dma_start3A_5 = arith.constant 1000000 : i32
    %dma_start3A_6 = arith.constant 0 : i32
    %dma_start3A_7 = tpu.memref_slice %arg4[%dma_start3A_5, %dma_start3A_6] : memref<1000001x64xf32, #tpu.memory_space<hbm>> -> memref<1x64xf32, #tpu.memory_space<hbm>>
    tpu.enqueue_dma source(%dma_start3A_7 : memref<1x64xf32, #tpu.memory_space<hbm>>) target(%arg8 : memref<1x64xf32, #tpu.memory_space<vmem>>) target_semaphore(%arg11 : memref<!tpu.dma_semaphore, #tpu.memory_space<semaphore_mem>>)
    %dma_wait3A = arith.constant 1000000 : i32
    %dma_wait3A_8 = arith.constant 0 : i32
    %dma_wait3A_9 = tpu.memref_slice %arg4[%dma_wait3A, %dma_wait3A_8] : memref<1000001x64xf32, #tpu.memory_space<hbm>> -> memref<1x64xf32, #tpu.memory_space<hbm>>
    %dma_wait3A_10 = arith.constant 1000000 : i32
    %dma_wait3A_11 = arith.constant 0 : i32
    %dma_wait3A_12 = tpu.memref_slice %arg4[%dma_wait3A_10, %dma_wait3A_11] : memref<1000001x64xf32, #tpu.memory_space<hbm>> -> memref<1x64xf32, #tpu.memory_space<hbm>>
    tpu.wait_dma2 semaphore(%arg11 : memref<!tpu.dma_semaphore, #tpu.memory_space<semaphore_mem>>) src(%dma_wait3A_12 : memref<1x64xf32, #tpu.memory_space<hbm>>) dst(%arg8 : memref<1x64xf32, #tpu.memory_space<vmem>>)
    %dma_start3A_13 = arith.constant 0 : i32
    %dma_start3A_14 = arith.constant 0 : i32
    %dma_start3A_15 = arith.constant 0 : i32
    %dma_start3A_16 = arith.constant 0 : i32
    %dma_start3A_17 = tpu.memref_slice %arg9[%dma_start3A_14, %dma_start3A_15, %dma_start3A_16] : memref<4x128x64xf32, #tpu.memory_space<vmem>> -> memref<1x128x64xf32, #tpu.memory_space<vmem>>
    %dma_start3A_18 = tpu.memref_squeeze %dma_start3A_17 : memref<1x128x64xf32, #tpu.memory_space<vmem>> -> memref<128x64xf32, #tpu.memory_space<vmem>>
    %dma_start3A_19 = arith.constant 0 : i32
    %dma_start3A_20 = tpu.memref_slice %arg7[%dma_start3A_13, %dma_start3A_19] : memref<4x128xi32, #tpu.memory_space<vmem>> -> memref<1x128xi32, #tpu.memory_space<vmem>>
    %dma_start3A_21 = tpu.memref_squeeze %dma_start3A_20 : memref<1x128xi32, #tpu.memory_space<vmem>> -> memref<128xi32, #tpu.memory_space<vmem>>
    %dma_start3A_22 = arith.constant 0 : i32
    %dma_start3A_23 = arith.constant 0 : i32
    %dma_start3A_24 = tpu.memref_slice %arg4[%dma_start3A_22, %dma_start3A_23] : memref<1000001x64xf32, #tpu.memory_space<hbm>> -> memref<1000001x64xf32, #tpu.memory_space<hbm>>
    tpu.enqueue_indirect_dma source(%dma_start3A_24 : memref<1000001x64xf32, #tpu.memory_space<hbm>>) target(%dma_start3A_18 : memref<128x64xf32, #tpu.memory_space<vmem>>) offsets(%dma_start3A_21 : memref<128xi32, #tpu.memory_space<vmem>>) semaphore(%arg10 : memref<!tpu.dma_semaphore, #tpu.memory_space<semaphore_mem>>)
    %dma_start3A_25 = arith.constant 1 : i32
    %dma_start3A_26 = arith.constant 1 : i32
    %dma_start3A_27 = arith.constant 0 : i32
    %dma_start3A_28 = arith.constant 0 : i32
    %dma_start3A_29 = tpu.memref_slice %arg9[%dma_start3A_26, %dma_start3A_27, %dma_start3A_28] : memref<4x128x64xf32, #tpu.memory_space<vmem>> -> memref<1x128x64xf32, #tpu.memory_space<vmem>>
    %dma_start3A_30 = tpu.memref_squeeze %dma_start3A_29 : memref<1x128x64xf32, #tpu.memory_space<vmem>> -> memref<128x64xf32, #tpu.memory_space<vmem>>
    %dma_start3A_31 = arith.constant 0 : i32
    %dma_start3A_32 = tpu.memref_slice %arg7[%dma_start3A_25, %dma_start3A_31] : memref<4x128xi32, #tpu.memory_space<vmem>> -> memref<1x128xi32, #tpu.memory_space<vmem>>
    %dma_start3A_33 = tpu.memref_squeeze %dma_start3A_32 : memref<1x128xi32, #tpu.memory_space<vmem>> -> memref<128xi32, #tpu.memory_space<vmem>>
    %dma_start3A_34 = arith.constant 0 : i32
    %dma_start3A_35 = arith.constant 0 : i32
    %dma_start3A_36 = tpu.memref_slice %arg4[%dma_start3A_34, %dma_start3A_35] : memref<1000001x64xf32, #tpu.memory_space<hbm>> -> memref<1000001x64xf32, #tpu.memory_space<hbm>>
    tpu.enqueue_indirect_dma source(%dma_start3A_36 : memref<1000001x64xf32, #tpu.memory_space<hbm>>) target(%dma_start3A_30 : memref<128x64xf32, #tpu.memory_space<vmem>>) offsets(%dma_start3A_33 : memref<128xi32, #tpu.memory_space<vmem>>) semaphore(%arg10 : memref<!tpu.dma_semaphore, #tpu.memory_space<semaphore_mem>>)
    %dma_start3A_37 = arith.constant 2 : i32
    %dma_start3A_38 = arith.constant 2 : i32
    %dma_start3A_39 = arith.constant 0 : i32
    %dma_start3A_40 = arith.constant 0 : i32
    %dma_start3A_41 = tpu.memref_slice %arg9[%dma_start3A_38, %dma_start3A_39, %dma_start3A_40] : memref<4x128x64xf32, #tpu.memory_space<vmem>> -> memref<1x128x64xf32, #tpu.memory_space<vmem>>
    %dma_start3A_42 = tpu.memref_squeeze %dma_start3A_41 : memref<1x128x64xf32, #tpu.memory_space<vmem>> -> memref<128x64xf32, #tpu.memory_space<vmem>>
    %dma_start3A_43 = arith.constant 0 : i32
    %dma_start3A_44 = tpu.memref_slice %arg7[%dma_start3A_37, %dma_start3A_43] : memref<4x128xi32, #tpu.memory_space<vmem>> -> memref<1x128xi32, #tpu.memory_space<vmem>>
    %dma_start3A_45 = tpu.memref_squeeze %dma_start3A_44 : memref<1x128xi32, #tpu.memory_space<vmem>> -> memref<128xi32, #tpu.memory_space<vmem>>
    %dma_start3A_46 = arith.constant 0 : i32
    %dma_start3A_47 = arith.constant 0 : i32
    %dma_start3A_48 = tpu.memref_slice %arg4[%dma_start3A_46, %dma_start3A_47] : memref<1000001x64xf32, #tpu.memory_space<hbm>> -> memref<1000001x64xf32, #tpu.memory_space<hbm>>
    tpu.enqueue_indirect_dma source(%dma_start3A_48 : memref<1000001x64xf32, #tpu.memory_space<hbm>>) target(%dma_start3A_42 : memref<128x64xf32, #tpu.memory_space<vmem>>) offsets(%dma_start3A_45 : memref<128xi32, #tpu.memory_space<vmem>>) semaphore(%arg10 : memref<!tpu.dma_semaphore, #tpu.memory_space<semaphore_mem>>)
    %dma_start3A_49 = arith.constant 3 : i32
    %dma_start3A_50 = arith.constant 3 : i32
    %dma_start3A_51 = arith.constant 0 : i32
    %dma_start3A_52 = arith.constant 0 : i32
    %dma_start3A_53 = tpu.memref_slice %arg9[%dma_start3A_50, %dma_start3A_51, %dma_start3A_52] : memref<4x128x64xf32, #tpu.memory_space<vmem>> -> memref<1x128x64xf32, #tpu.memory_space<vmem>>
    %dma_start3A_54 = tpu.memref_squeeze %dma_start3A_53 : memref<1x128x64xf32, #tpu.memory_space<vmem>> -> memref<128x64xf32, #tpu.memory_space<vmem>>
    %dma_start3A_55 = arith.constant 0 : i32
    %dma_start3A_56 = tpu.memref_slice %arg7[%dma_start3A_49, %dma_start3A_55] : memref<4x128xi32, #tpu.memory_space<vmem>> -> memref<1x128xi32, #tpu.memory_space<vmem>>
    %dma_start3A_57 = tpu.memref_squeeze %dma_start3A_56 : memref<1x128xi32, #tpu.memory_space<vmem>> -> memref<128xi32, #tpu.memory_space<vmem>>
    %dma_start3A_58 = arith.constant 0 : i32
    %dma_start3A_59 = arith.constant 0 : i32
    %dma_start3A_60 = tpu.memref_slice %arg4[%dma_start3A_58, %dma_start3A_59] : memref<1000001x64xf32, #tpu.memory_space<hbm>> -> memref<1000001x64xf32, #tpu.memory_space<hbm>>
    tpu.enqueue_indirect_dma source(%dma_start3A_60 : memref<1000001x64xf32, #tpu.memory_space<hbm>>) target(%dma_start3A_54 : memref<128x64xf32, #tpu.memory_space<vmem>>) offsets(%dma_start3A_57 : memref<128xi32, #tpu.memory_space<vmem>>) semaphore(%arg10 : memref<!tpu.dma_semaphore, #tpu.memory_space<semaphore_mem>>)
    %dma_wait3A_61 = arith.constant 0 : i32
    %dma_wait3A_62 = arith.constant 0 : i32
    %dma_wait3A_63 = arith.constant 0 : i32
    %dma_wait3A_64 = arith.constant 0 : i32
    %dma_wait3A_65 = tpu.memref_slice %arg9[%dma_wait3A_62, %dma_wait3A_63, %dma_wait3A_64] : memref<4x128x64xf32, #tpu.memory_space<vmem>> -> memref<1x128x64xf32, #tpu.memory_space<vmem>>
    %dma_wait3A_66 = tpu.memref_squeeze %dma_wait3A_65 : memref<1x128x64xf32, #tpu.memory_space<vmem>> -> memref<128x64xf32, #tpu.memory_space<vmem>>
    %dma_wait3A_67 = arith.constant 0 : i32
    %dma_wait3A_68 = tpu.memref_slice %arg7[%dma_wait3A_61, %dma_wait3A_67] : memref<4x128xi32, #tpu.memory_space<vmem>> -> memref<1x128xi32, #tpu.memory_space<vmem>>
    %dma_wait3A_69 = tpu.memref_squeeze %dma_wait3A_68 : memref<1x128xi32, #tpu.memory_space<vmem>> -> memref<128xi32, #tpu.memory_space<vmem>>
    %dma_wait3A_70 = arith.constant 0 : i32
    %dma_wait3A_71 = arith.constant 0 : i32
    %dma_wait3A_72 = tpu.memref_slice %arg4[%dma_wait3A_70, %dma_wait3A_71] : memref<1000001x64xf32, #tpu.memory_space<hbm>> -> memref<1000001x64xf32, #tpu.memory_space<hbm>>
    tpu.wait_indirect_dma semaphore(%arg10 : memref<!tpu.dma_semaphore, #tpu.memory_space<semaphore_mem>>) src(%dma_wait3A_72 : memref<1000001x64xf32, #tpu.memory_space<hbm>>) dst(%dma_wait3A_66 : memref<128x64xf32, #tpu.memory_space<vmem>>)
    %dma_wait3A_73 = arith.constant 1 : i32
    %dma_wait3A_74 = arith.constant 1 : i32
    %dma_wait3A_75 = arith.constant 0 : i32
    %dma_wait3A_76 = arith.constant 0 : i32
    %dma_wait3A_77 = tpu.memref_slice %arg9[%dma_wait3A_74, %dma_wait3A_75, %dma_wait3A_76] : memref<4x128x64xf32, #tpu.memory_space<vmem>> -> memref<1x128x64xf32, #tpu.memory_space<vmem>>
    %dma_wait3A_78 = tpu.memref_squeeze %dma_wait3A_77 : memref<1x128x64xf32, #tpu.memory_space<vmem>> -> memref<128x64xf32, #tpu.memory_space<vmem>>
    %dma_wait3A_79 = arith.constant 0 : i32
    %dma_wait3A_80 = tpu.memref_slice %arg7[%dma_wait3A_73, %dma_wait3A_79] : memref<4x128xi32, #tpu.memory_space<vmem>> -> memref<1x128xi32, #tpu.memory_space<vmem>>
    %dma_wait3A_81 = tpu.memref_squeeze %dma_wait3A_80 : memref<1x128xi32, #tpu.memory_space<vmem>> -> memref<128xi32, #tpu.memory_space<vmem>>
    %dma_wait3A_82 = arith.constant 0 : i32
    %dma_wait3A_83 = arith.constant 0 : i32
    %dma_wait3A_84 = tpu.memref_slice %arg4[%dma_wait3A_82, %dma_wait3A_83] : memref<1000001x64xf32, #tpu.memory_space<hbm>> -> memref<1000001x64xf32, #tpu.memory_space<hbm>>
    tpu.wait_indirect_dma semaphore(%arg10 : memref<!tpu.dma_semaphore, #tpu.memory_space<semaphore_mem>>) src(%dma_wait3A_84 : memref<1000001x64xf32, #tpu.memory_space<hbm>>) dst(%dma_wait3A_78 : memref<128x64xf32, #tpu.memory_space<vmem>>)
    %dma_wait3A_85 = arith.constant 2 : i32
    %dma_wait3A_86 = arith.constant 2 : i32
    %dma_wait3A_87 = arith.constant 0 : i32
    %dma_wait3A_88 = arith.constant 0 : i32
    %dma_wait3A_89 = tpu.memref_slice %arg9[%dma_wait3A_86, %dma_wait3A_87, %dma_wait3A_88] : memref<4x128x64xf32, #tpu.memory_space<vmem>> -> memref<1x128x64xf32, #tpu.memory_space<vmem>>
    %dma_wait3A_90 = tpu.memref_squeeze %dma_wait3A_89 : memref<1x128x64xf32, #tpu.memory_space<vmem>> -> memref<128x64xf32, #tpu.memory_space<vmem>>
    %dma_wait3A_91 = arith.constant 0 : i32
    %dma_wait3A_92 = tpu.memref_slice %arg7[%dma_wait3A_85, %dma_wait3A_91] : memref<4x128xi32, #tpu.memory_space<vmem>> -> memref<1x128xi32, #tpu.memory_space<vmem>>
    %dma_wait3A_93 = tpu.memref_squeeze %dma_wait3A_92 : memref<1x128xi32, #tpu.memory_space<vmem>> -> memref<128xi32, #tpu.memory_space<vmem>>
    %dma_wait3A_94 = arith.constant 0 : i32
    %dma_wait3A_95 = arith.constant 0 : i32
    %dma_wait3A_96 = tpu.memref_slice %arg4[%dma_wait3A_94, %dma_wait3A_95] : memref<1000001x64xf32, #tpu.memory_space<hbm>> -> memref<1000001x64xf32, #tpu.memory_space<hbm>>
    tpu.wait_indirect_dma semaphore(%arg10 : memref<!tpu.dma_semaphore, #tpu.memory_space<semaphore_mem>>) src(%dma_wait3A_96 : memref<1000001x64xf32, #tpu.memory_space<hbm>>) dst(%dma_wait3A_90 : memref<128x64xf32, #tpu.memory_space<vmem>>)
    %dma_wait3A_97 = arith.constant 3 : i32
    %dma_wait3A_98 = arith.constant 3 : i32
    %dma_wait3A_99 = arith.constant 0 : i32
    %dma_wait3A_100 = arith.constant 0 : i32
    %dma_wait3A_101 = tpu.memref_slice %arg9[%dma_wait3A_98, %dma_wait3A_99, %dma_wait3A_100] : memref<4x128x64xf32, #tpu.memory_space<vmem>> -> memref<1x128x64xf32, #tpu.memory_space<vmem>>
    %dma_wait3A_102 = tpu.memref_squeeze %dma_wait3A_101 : memref<1x128x64xf32, #tpu.memory_space<vmem>> -> memref<128x64xf32, #tpu.memory_space<vmem>>
    %dma_wait3A_103 = arith.constant 0 : i32
    %dma_wait3A_104 = tpu.memref_slice %arg7[%dma_wait3A_97, %dma_wait3A_103] : memref<4x128xi32, #tpu.memory_space<vmem>> -> memref<1x128xi32, #tpu.memory_space<vmem>>
    %dma_wait3A_105 = tpu.memref_squeeze %dma_wait3A_104 : memref<1x128xi32, #tpu.memory_space<vmem>> -> memref<128xi32, #tpu.memory_space<vmem>>
    %dma_wait3A_106 = arith.constant 0 : i32
    %dma_wait3A_107 = arith.constant 0 : i32
    %dma_wait3A_108 = tpu.memref_slice %arg4[%dma_wait3A_106, %dma_wait3A_107] : memref<1000001x64xf32, #tpu.memory_space<hbm>> -> memref<1000001x64xf32, #tpu.memory_space<hbm>>
    tpu.wait_indirect_dma semaphore(%arg10 : memref<!tpu.dma_semaphore, #tpu.memory_space<semaphore_mem>>) src(%dma_wait3A_108 : memref<1000001x64xf32, #tpu.memory_space<hbm>>) dst(%dma_wait3A_102 : memref<128x64xf32, #tpu.memory_space<vmem>>)
    %get3A = arith.constant 0 : i32
    %get3A_109 = arith.index_cast %get3A : i32 to index
    %get3A_110 = arith.constant 0 : index
    %get3A_111 = tpu.vector_load %arg8[%get3A_109, %get3A_110] {strides = array<i32>} : memref<1x64xf32, #tpu.memory_space<vmem>>, vector<1x16xf32>,
    %get3A_112 = vector.shape_cast %get3A_111 : vector<1x16xf32> to vector<16xf32>
    %get3A_113 = arith.constant 0 : i32
    %get3A_114 = arith.index_cast %get3A_113 : i32 to index
    %get3A_115 = arith.constant 16 : index
    %get3A_116 = tpu.vector_load %arg8[%get3A_114, %get3A_115] {strides = array<i32>} : memref<1x64xf32, #tpu.memory_space<vmem>>, vector<1x16xf32>,
    %get3A_117 = vector.shape_cast %get3A_116 : vector<1x16xf32> to vector<16xf32>
    %get3A_118 = arith.constant 0 : i32
    %get3A_119 = arith.index_cast %get3A_118 : i32 to index
    %get3A_120 = arith.constant 32 : index
    %get3A_121 = tpu.vector_load %arg8[%get3A_119, %get3A_120] {strides = array<i32>} : memref<1x64xf32, #tpu.memory_space<vmem>>, vector<1x16xf32>,
    %get3A_122 = vector.shape_cast %get3A_121 : vector<1x16xf32> to vector<16xf32>
    %get3A_123 = arith.constant 0 : i32
    %get3A_124 = arith.index_cast %get3A_123 : i32 to index
    %get3A_125 = arith.constant 48 : index
    %get3A_126 = tpu.vector_load %arg8[%get3A_124, %get3A_125] {strides = array<i32>} : memref<1x64xf32, #tpu.memory_space<vmem>>, vector<1x16xf32>,
    %get3A_127 = vector.shape_cast %get3A_126 : vector<1x16xf32> to vector<16xf32>
    %scan3A = arith.constant 0 : i32
    %scan3A_128 = arith.constant 0 : i32
    %scan3A_129 = arith.constant 32 : i32
    %scan3A_130 = arith.addi %scan3A_128, %scan3A_129 : i32
    %scan3A_131 = arith.constant 1 : i32
    scf.for %scan3A_144 = %scan3A_128 to %scan3A_130 step %scan3A_131  : i32 {
      %mul3A_145 = arith.constant 16 : i32
      %mul3A_146 = arith.muli %scan3A_144, %mul3A_145 : i32
      %get3A_147 = arith.index_cast %mul3A_146 : i32 to index
      %get3A_148 = tpu.vector_load %arg6[%get3A_147] {strides = array<i32>} : memref<512xi32, #tpu.memory_space<vmem>>, vector<16xi32>,
      %get3A_149 = vector.shape_cast %get3A_148 : vector<16xi32> to vector<16xi32>
      %slice3A = vector.extract_strided_slice %get3A_149 {offsets = [0], sizes = [1], strides = [1]} : vector<16xi32> to vector<1xi32>
      %squeeze3A = vector.extract %slice3A[0] : i32 from vector<1xi32>
      %eq3A = arith.constant 1 : i32
      %eq3A_150 = arith.cmpi eq, %squeeze3A, %eq3A : i32
      %convert_element_type3A = arith.extui %eq3A_150 : i1 to i32
      %cond3A = arith.constant 0 : i32
      %cond3A_151 = arith.cmpi ne, %convert_element_type3A, %cond3A : i32
      scf.if %cond3A_151 {
        %mul3A_257 = arith.constant 16 : i32
        %mul3A_258 = arith.muli %scan3A_144, %mul3A_257 : i32
        %add3A_259 = arith.constant 0 : i32
        %add3A_260 = arith.addi %mul3A_258, %add3A_259 : i32
        %jit3A = arith.constant 128 : i32
        %div3A = arith.divsi %add3A_260, %jit3A : i32
        %sign3A = arith.constant 0 : i32
        %sign3A_261 = arith.cmpi sgt, %add3A_260, %sign3A : i32
        %sign3A_262 = arith.extui %sign3A_261 : i1 to i32
        %sign3A_263 = arith.constant 0 : i32
        %sign3A_264 = arith.cmpi slt, %add3A_260, %sign3A_263 : i32
        %sign3A_265 = arith.extui %sign3A_264 : i1 to i32
        %sign3A_266 = arith.subi %sign3A_262, %sign3A_265 : i32
        %sign3A_267 = arith.constant 0 : i32
        %sign3A_268 = arith.cmpi sgt, %jit3A, %sign3A_267 : i32
        %sign3A_269 = arith.extui %sign3A_268 : i1 to i32
        %sign3A_270 = arith.constant 0 : i32
        %sign3A_271 = arith.cmpi slt, %jit3A, %sign3A_270 : i32
        %sign3A_272 = arith.extui %sign3A_271 : i1 to i32
        %sign3A_273 = arith.subi %sign3A_269, %sign3A_272 : i32
        %ne3A = arith.cmpi ne, %sign3A_266, %sign3A_273 : i32
        %rem3A = arith.remsi %add3A_260, %jit3A : i32
        %ne3A_274 = arith.constant 0 : i32
        %ne3A_275 = arith.cmpi ne, %rem3A, %ne3A_274 : i32
        %and3A = arith.andi %ne3A, %ne3A_275 : i1
        %sub3A = arith.constant 1 : i32
        %sub3A_276 = arith.subi %div3A, %sub3A : i32
        %select_n3A = arith.select %and3A, %sub3A_276, %div3A : i32
        %rem3A_277 = arith.constant 128 : i32
        %rem3A_278 = arith.remsi %add3A_260, %rem3A_277 : i32
        %swap3A = arith.constant 0 : i32
        %swap3A_279 = arith.constant 0 : i32
        %swap3A_280 = tpu.memref_slice %arg9[%select_n3A, %swap3A, %swap3A_279] : memref<4x128x64xf32, #tpu.memory_space<vmem>> -> memref<1x128x64xf32, #tpu.memory_space<vmem>>
        %swap3A_281 = tpu.memref_squeeze %swap3A_280 : memref<1x128x64xf32, #tpu.memory_space<vmem>> -> memref<128x64xf32, #tpu.memory_space<vmem>>
        %swap3A_282 = arith.constant 0 : i32
        %swap3A_283 = tpu.memref_slice %swap3A_281[%rem3A_278, %swap3A_282] : memref<128x64xf32, #tpu.memory_space<vmem>> -> memref<1x64xf32, #tpu.memory_space<vmem>>
        %swap3A_284 = tpu.memref_squeeze %swap3A_283 : memref<1x64xf32, #tpu.memory_space<vmem>> -> memref<64xf32, #tpu.memory_space<vmem>>
        %swap3A_285 = arith.constant 0 : index
        %swap3A_286 = tpu.vector_load %swap3A_284[%swap3A_285] {strides = array<i32>} : memref<64xf32, #tpu.memory_space<vmem>>, vector<16xf32>,
        %swap3A_287 = vector.shape_cast %swap3A_286 : vector<16xf32> to vector<16xf32>
        %swap3A_288 = vector.shape_cast %get3A_112 : vector<16xf32> to vector<16xf32>
        tpu.vector_store %swap3A_284[%swap3A_285], %swap3A_288 {strides = array<i32>} : memref<64xf32, #tpu.memory_space<vmem>>, vector<16xf32>,
        %swap3A_289 = arith.constant 0 : i32
        %swap3A_290 = arith.constant 0 : i32
        %swap3A_291 = tpu.memref_slice %arg9[%select_n3A, %swap3A_289, %swap3A_290] : memref<4x128x64xf32, #tpu.memory_space<vmem>> -> memref<1x128x64xf32, #tpu.memory_space<vmem>>
        %swap3A_292 = tpu.memref_squeeze %swap3A_291 : memref<1x128x64xf32, #tpu.memory_space<vmem>> -> memref<128x64xf32, #tpu.memory_space<vmem>>
        %swap3A_293 = arith.constant 0 : i32
        %swap3A_294 = tpu.memref_slice %swap3A_292[%rem3A_278, %swap3A_293] : memref<128x64xf32, #tpu.memory_space<vmem>> -> memref<1x64xf32, #tpu.memory_space<vmem>>
        %swap3A_295 = tpu.memref_squeeze %swap3A_294 : memref<1x64xf32, #tpu.memory_space<vmem>> -> memref<64xf32, #tpu.memory_space<vmem>>
        %swap3A_296 = arith.constant 16 : index
        %swap3A_297 = tpu.vector_load %swap3A_295[%swap3A_296] {strides = array<i32>} : memref<64xf32, #tpu.memory_space<vmem>>, vector<16xf32>,
        %swap3A_298 = vector.shape_cast %swap3A_297 : vector<16xf32> to vector<16xf32>
        %swap3A_299 = vector.shape_cast %get3A_117 : vector<16xf32> to vector<16xf32>
        tpu.vector_store %swap3A_295[%swap3A_296], %swap3A_299 {strides = array<i32>} : memref<64xf32, #tpu.memory_space<vmem>>, vector<16xf32>,
        %swap3A_300 = arith.constant 0 : i32
        %swap3A_301 = arith.constant 0 : i32
        %swap3A_302 = tpu.memref_slice %arg9[%select_n3A, %swap3A_300, %swap3A_301] : memref<4x128x64xf32, #tpu.memory_space<vmem>> -> memref<1x128x64xf32, #tpu.memory_space<vmem>>
        %swap3A_303 = tpu.memref_squeeze %swap3A_302 : memref<1x128x64xf32, #tpu.memory_space<vmem>> -> memref<128x64xf32, #tpu.memory_space<vmem>>
        %swap3A_304 = arith.constant 0 : i32
        %swap3A_305 = tpu.memref_slice %swap3A_303[%rem3A_278, %swap3A_304] : memref<128x64xf32, #tpu.memory_space<vmem>> -> memref<1x64xf32, #tpu.memory_space<vmem>>
        %swap3A_306 = tpu.memref_squeeze %swap3A_305 : memref<1x64xf32, #tpu.memory_space<vmem>> -> memref<64xf32, #tpu.memory_space<vmem>>
        %swap3A_307 = arith.constant 32 : index
        %swap3A_308 = tpu.vector_load %swap3A_306[%swap3A_307] {strides = array<i32>} : memref<64xf32, #tpu.memory_space<vmem>>, vector<16xf32>,
        %swap3A_309 = vector.shape_cast %swap3A_308 : vector<16xf32> to vector<16xf32>
        %swap3A_310 = vector.shape_cast %get3A_122 : vector<16xf32> to vector<16xf32>
        tpu.vector_store %swap3A_306[%swap3A_307], %swap3A_310 {strides = array<i32>} : memref<64xf32, #tpu.memory_space<vmem>>, vector<16xf32>,
        %swap3A_311 = arith.constant 0 : i32
        %swap3A_312 = arith.constant 0 : i32
        %swap3A_313 = tpu.memref_slice %arg9[%select_n3A, %swap3A_311, %swap3A_312] : memref<4x128x64xf32, #tpu.memory_space<vmem>> -> memref<1x128x64xf32, #tpu.memory_space<vmem>>
        %swap3A_314 = tpu.memref_squeeze %swap3A_313 : memref<1x128x64xf32, #tpu.memory_space<vmem>> -> memref<128x64xf32, #tpu.memory_space<vmem>>
        %swap3A_315 = arith.constant 0 : i32
        %swap3A_316 = tpu.memref_slice %swap3A_314[%rem3A_278, %swap3A_315] : memref<128x64xf32, #tpu.memory_space<vmem>> -> memref<1x64xf32, #tpu.memory_space<vmem>>
        %swap3A_317 = tpu.memref_squeeze %swap3A_316 : memref<1x64xf32, #tpu.memory_space<vmem>> -> memref<64xf32, #tpu.memory_space<vmem>>
        %swap3A_318 = arith.constant 48 : index
        %swap3A_319 = tpu.vector_load %swap3A_317[%swap3A_318] {strides = array<i32>} : memref<64xf32, #tpu.memory_space<vmem>>, vector<16xf32>,
        %swap3A_320 = vector.shape_cast %swap3A_319 : vector<16xf32> to vector<16xf32>
        %swap3A_321 = vector.shape_cast %get3A_127 : vector<16xf32> to vector<16xf32>
        tpu.vector_store %swap3A_317[%swap3A_318], %swap3A_321 {strides = array<i32>} : memref<64xf32, #tpu.memory_space<vmem>>, vector<16xf32>,
      } else {
      }
      %slice3A_152 = vector.extract_strided_slice %get3A_149 {offsets = [1], sizes = [1], strides = [1]} : vector<16xi32> to vector<1xi32>
      %squeeze3A_153 = vector.extract %slice3A_152[0] : i32 from vector<1xi32>
      %eq3A_154 = arith.constant 1 : i32
      %eq3A_155 = arith.cmpi eq, %squeeze3A_153, %eq3A_154 : i32
      %convert_element_type3A_156 = arith.extui %eq3A_155 : i1 to i32
      %cond3A_157 = arith.constant 0 : i32
      %cond3A_158 = arith.cmpi ne, %convert_element_type3A_156, %cond3A_157 : i32
      scf.if %cond3A_158 {
        %mul3A_257 = arith.constant 16 : i32
        %mul3A_258 = arith.muli %scan3A_144, %mul3A_257 : i32
        %add3A_259 = arith.constant 1 : i32
        %add3A_260 = arith.addi %mul3A_258, %add3A_259 : i32
        %jit3A = arith.constant 128 : i32
        %div3A = arith.divsi %add3A_260, %jit3A : i32
        %sign3A = arith.constant 0 : i32
        %sign3A_261 = arith.cmpi sgt, %add3A_260, %sign3A : i32
        %sign3A_262 = arith.extui %sign3A_261 : i1 to i32
        %sign3A_263 = arith.constant 0 : i32
        %sign3A_264 = arith.cmpi slt, %add3A_260, %sign3A_263 : i32
        %sign3A_265 = arith.extui %sign3A_264 : i1 to i32
        %sign3A_266 = arith.subi %sign3A_262, %sign3A_265 : i32
        %sign3A_267 = arith.constant 0 : i32
        %sign3A_268 = arith.cmpi sgt, %jit3A, %sign3A_267 : i32
        %sign3A_269 = arith.extui %sign3A_268 : i1 to i32
        %sign3A_270 = arith.constant 0 : i32
        %sign3A_271 = arith.cmpi slt, %jit3A, %sign3A_270 : i32
        %sign3A_272 = arith.extui %sign3A_271 : i1 to i32
        %sign3A_273 = arith.subi %sign3A_269, %sign3A_272 : i32
        %ne3A = arith.cmpi ne, %sign3A_266, %sign3A_273 : i32
        %rem3A = arith.remsi %add3A_260, %jit3A : i32
        %ne3A_274 = arith.constant 0 : i32
        %ne3A_275 = arith.cmpi ne, %rem3A, %ne3A_274 : i32
        %and3A = arith.andi %ne3A, %ne3A_275 : i1
        %sub3A = arith.constant 1 : i32
        %sub3A_276 = arith.subi %div3A, %sub3A : i32
        %select_n3A = arith.select %and3A, %sub3A_276, %div3A : i32
        %rem3A_277 = arith.constant 128 : i32
        %rem3A_278 = arith.remsi %add3A_260, %rem3A_277 : i32
        %swap3A = arith.constant 0 : i32
        %swap3A_279 = arith.constant 0 : i32
        %swap3A_280 = tpu.memref_slice %arg9[%select_n3A, %swap3A, %swap3A_279] : memref<4x128x64xf32, #tpu.memory_space<vmem>> -> memref<1x128x64xf32, #tpu.memory_space<vmem>>
        %swap3A_281 = tpu.memref_squeeze %swap3A_280 : memref<1x128x64xf32, #tpu.memory_space<vmem>> -> memref<128x64xf32, #tpu.memory_space<vmem>>
        %swap3A_282 = arith.constant 0 : i32
        %swap3A_283 = tpu.memref_slice %swap3A_281[%rem3A_278, %swap3A_282] : memref<128x64xf32, #tpu.memory_space<vmem>> -> memref<1x64xf32, #tpu.memory_space<vmem>>
        %swap3A_284 = tpu.memref_squeeze %swap3A_283 : memref<1x64xf32, #tpu.memory_space<vmem>> -> memref<64xf32, #tpu.memory_space<vmem>>
        %swap3A_285 = arith.constant 0 : index
        %swap3A_286 = tpu.vector_load %swap3A_284[%swap3A_285] {strides = array<i32>} : memref<64xf32, #tpu.memory_space<vmem>>, vector<16xf32>,
        %swap3A_287 = vector.shape_cast %swap3A_286 : vector<16xf32> to vector<16xf32>
        %swap3A_288 = vector.shape_cast %get3A_112 : vector<16xf32> to vector<16xf32>
        tpu.vector_store %swap3A_284[%swap3A_285], %swap3A_288 {strides = array<i32>} : memref<64xf32, #tpu.memory_space<vmem>>, vector<16xf32>,
        %swap3A_289 = arith.constant 0 : i32
        %swap3A_290 = arith.constant 0 : i32
        %swap3A_291 = tpu.memref_slice %arg9[%select_n3A, %swap3A_289, %swap3A_290] : memref<4x128x64xf32, #tpu.memory_space<vmem>> -> memref<1x128x64xf32, #tpu.memory_space<vmem>>
        %swap3A_292 = tpu.memref_squeeze %swap3A_291 : memref<1x128x64xf32, #tpu.memory_space<vmem>> -> memref<128x64xf32, #tpu.memory_space<vmem>>
        %swap3A_293 = arith.constant 0 : i32
        %swap3A_294 = tpu.memref_slice %swap3A_292[%rem3A_278, %swap3A_293] : memref<128x64xf32, #tpu.memory_space<vmem>> -> memref<1x64xf32, #tpu.memory_space<vmem>>
        %swap3A_295 = tpu.memref_squeeze %swap3A_294 : memref<1x64xf32, #tpu.memory_space<vmem>> -> memref<64xf32, #tpu.memory_space<vmem>>
        %swap3A_296 = arith.constant 16 : index
        %swap3A_297 = tpu.vector_load %swap3A_295[%swap3A_296] {strides = array<i32>} : memref<64xf32, #tpu.memory_space<vmem>>, vector<16xf32>,
        %swap3A_298 = vector.shape_cast %swap3A_297 : vector<16xf32> to vector<16xf32>
        %swap3A_299 = vector.shape_cast %get3A_117 : vector<16xf32> to vector<16xf32>
        tpu.vector_store %swap3A_295[%swap3A_296], %swap3A_299 {strides = array<i32>} : memref<64xf32, #tpu.memory_space<vmem>>, vector<16xf32>,
        %swap3A_300 = arith.constant 0 : i32
        %swap3A_301 = arith.constant 0 : i32
        %swap3A_302 = tpu.memref_slice %arg9[%select_n3A, %swap3A_300, %swap3A_301] : memref<4x128x64xf32, #tpu.memory_space<vmem>> -> memref<1x128x64xf32, #tpu.memory_space<vmem>>
        %swap3A_303 = tpu.memref_squeeze %swap3A_302 : memref<1x128x64xf32, #tpu.memory_space<vmem>> -> memref<128x64xf32, #tpu.memory_space<vmem>>
        %swap3A_304 = arith.constant 0 : i32
        %swap3A_305 = tpu.memref_slice %swap3A_303[%rem3A_278, %swap3A_304] : memref<128x64xf32, #tpu.memory_space<vmem>> -> memref<1x64xf32, #tpu.memory_space<vmem>>
        %swap3A_306 = tpu.memref_squeeze %swap3A_305 : memref<1x64xf32, #tpu.memory_space<vmem>> -> memref<64xf32, #tpu.memory_space<vmem>>
        %swap3A_307 = arith.constant 32 : index
        %swap3A_308 = tpu.vector_load %swap3A_306[%swap3A_307] {strides = array<i32>} : memref<64xf32, #tpu.memory_space<vmem>>, vector<16xf32>,
        %swap3A_309 = vector.shape_cast %swap3A_308 : vector<16xf32> to vector<16xf32>
        %swap3A_310 = vector.shape_cast %get3A_122 : vector<16xf32> to vector<16xf32>
        tpu.vector_store %swap3A_306[%swap3A_307], %swap3A_310 {strides = array<i32>} : memref<64xf32, #tpu.memory_space<vmem>>, vector<16xf32>,
        %swap3A_311 = arith.constant 0 : i32
        %swap3A_312 = arith.constant 0 : i32
        %swap3A_313 = tpu.memref_slice %arg9[%select_n3A, %swap3A_311, %swap3A_312] : memref<4x128x64xf32, #tpu.memory_space<vmem>> -> memref<1x128x64xf32, #tpu.memory_space<vmem>>
        %swap3A_314 = tpu.memref_squeeze %swap3A_313 : memref<1x128x64xf32, #tpu.memory_space<vmem>> -> memref<128x64xf32, #tpu.memory_space<vmem>>
        %swap3A_315 = arith.constant 0 : i32
        %swap3A_316 = tpu.memref_slice %swap3A_314[%rem3A_278, %swap3A_315] : memref<128x64xf32, #tpu.memory_space<vmem>> -> memref<1x64xf32, #tpu.memory_space<vmem>>
        %swap3A_317 = tpu.memref_squeeze %swap3A_316 : memref<1x64xf32, #tpu.memory_space<vmem>> -> memref<64xf32, #tpu.memory_space<vmem>>
        %swap3A_318 = arith.constant 48 : index
        %swap3A_319 = tpu.vector_load %swap3A_317[%swap3A_318] {strides = array<i32>} : memref<64xf32, #tpu.memory_space<vmem>>, vector<16xf32>,
        %swap3A_320 = vector.shape_cast %swap3A_319 : vector<16xf32> to vector<16xf32>
        %swap3A_321 = vector.shape_cast %get3A_127 : vector<16xf32> to vector<16xf32>
        tpu.vector_store %swap3A_317[%swap3A_318], %swap3A_321 {strides = array<i32>} : memref<64xf32, #tpu.memory_space<vmem>>, vector<16xf32>,
      } else {
      }
      %slice3A_159 = vector.extract_strided_slice %get3A_149 {offsets = [2], sizes = [1], strides = [1]} : vector<16xi32> to vector<1xi32>
      %squeeze3A_160 = vector.extract %slice3A_159[0] : i32 from vector<1xi32>
      %eq3A_161 = arith.constant 1 : i32
      %eq3A_162 = arith.cmpi eq, %squeeze3A_160, %eq3A_161 : i32
      %convert_element_type3A_163 = arith.extui %eq3A_162 : i1 to i32
      %cond3A_164 = arith.constant 0 : i32
      %cond3A_165 = arith.cmpi ne, %convert_element_type3A_163, %cond3A_164 : i32
      scf.if %cond3A_165 {
        %mul3A_257 = arith.constant 16 : i32
        %mul3A_258 = arith.muli %scan3A_144, %mul3A_257 : i32
        %add3A_259 = arith.constant 2 : i32
        %add3A_260 = arith.addi %mul3A_258, %add3A_259 : i32
        %jit3A = arith.constant 128 : i32
        %div3A = arith.divsi %add3A_260, %jit3A : i32
        %sign3A = arith.constant 0 : i32
        %sign3A_261 = arith.cmpi sgt, %add3A_260, %sign3A : i32
        %sign3A_262 = arith.extui %sign3A_261 : i1 to i32
        %sign3A_263 = arith.constant 0 : i32
        %sign3A_264 = arith.cmpi slt, %add3A_260, %sign3A_263 : i32
        %sign3A_265 = arith.extui %sign3A_264 : i1 to i32
        %sign3A_266 = arith.subi %sign3A_262, %sign3A_265 : i32
        %sign3A_267 = arith.constant 0 : i32
        %sign3A_268 = arith.cmpi sgt, %jit3A, %sign3A_267 : i32
        %sign3A_269 = arith.extui %sign3A_268 : i1 to i32
        %sign3A_270 = arith.constant 0 : i32
        %sign3A_271 = arith.cmpi slt, %jit3A, %sign3A_270 : i32
        %sign3A_272 = arith.extui %sign3A_271 : i1 to i32
        %sign3A_273 = arith.subi %sign3A_269, %sign3A_272 : i32
        %ne3A = arith.cmpi ne, %sign3A_266, %sign3A_273 : i32
        %rem3A = arith.remsi %add3A_260, %jit3A : i32
        %ne3A_274 = arith.constant 0 : i32
        %ne3A_275 = arith.cmpi ne, %rem3A, %ne3A_274 : i32
        %and3A = arith.andi %ne3A, %ne3A_275 : i1
        %sub3A = arith.constant 1 : i32
        %sub3A_276 = arith.subi %div3A, %sub3A : i32
        %select_n3A = arith.select %and3A, %sub3A_276, %div3A : i32
        %rem3A_277 = arith.constant 128 : i32
        %rem3A_278 = arith.remsi %add3A_260, %rem3A_277 : i32
        %swap3A = arith.constant 0 : i32
        %swap3A_279 = arith.constant 0 : i32
        %swap3A_280 = tpu.memref_slice %arg9[%select_n3A, %swap3A, %swap3A_279] : memref<4x128x64xf32, #tpu.memory_space<vmem>> -> memref<1x128x64xf32, #tpu.memory_space<vmem>>
        %swap3A_281 = tpu.memref_squeeze %swap3A_280 : memref<1x128x64xf32, #tpu.memory_space<vmem>> -> memref<128x64xf32, #tpu.memory_space<vmem>>
        %swap3A_282 = arith.constant 0 : i32
        %swap3A_283 = tpu.memref_slice %swap3A_281[%rem3A_278, %swap3A_282] : memref<128x64xf32, #tpu.memory_space<vmem>> -> memref<1x64xf32, #tpu.memory_space<vmem>>
        %swap3A_284 = tpu.memref_squeeze %swap3A_283 : memref<1x64xf32, #tpu.memory_space<vmem>> -> memref<64xf32, #tpu.memory_space<vmem>>
        %swap3A_285 = arith.constant 0 : index
        %swap3A_286 = tpu.vector_load %swap3A_284[%swap3A_285] {strides = array<i32>} : memref<64xf32, #tpu.memory_space<vmem>>, vector<16xf32>,
        %swap3A_287 = vector.shape_cast %swap3A_286 : vector<16xf32> to vector<16xf32>
        %swap3A_288 = vector.shape_cast %get3A_112 : vector<16xf32> to vector<16xf32>
        tpu.vector_store %swap3A_284[%swap3A_285], %swap3A_288 {strides = array<i32>} : memref<64xf32, #tpu.memory_space<vmem>>, vector<16xf32>,
        %swap3A_289 = arith.constant 0 : i32
        %swap3A_290 = arith.constant 0 : i32
        %swap3A_291 = tpu.memref_slice %arg9[%select_n3A, %swap3A_289, %swap3A_290] : memref<4x128x64xf32, #tpu.memory_space<vmem>> -> memref<1x128x64xf32, #tpu.memory_space<vmem>>
        %swap3A_292 = tpu.memref_squeeze %swap3A_291 : memref<1x128x64xf32, #tpu.memory_space<vmem>> -> memref<128x64xf32, #tpu.memory_space<vmem>>
        %swap3A_293 = arith.constant 0 : i32
        %swap3A_294 = tpu.memref_slice %swap3A_292[%rem3A_278, %swap3A_293] : memref<128x64xf32, #tpu.memory_space<vmem>> -> memref<1x64xf32, #tpu.memory_space<vmem>>
        %swap3A_295 = tpu.memref_squeeze %swap3A_294 : memref<1x64xf32, #tpu.memory_space<vmem>> -> memref<64xf32, #tpu.memory_space<vmem>>
        %swap3A_296 = arith.constant 16 : index
        %swap3A_297 = tpu.vector_load %swap3A_295[%swap3A_296] {strides = array<i32>} : memref<64xf32, #tpu.memory_space<vmem>>, vector<16xf32>,
        %swap3A_298 = vector.shape_cast %swap3A_297 : vector<16xf32> to vector<16xf32>
        %swap3A_299 = vector.shape_cast %get3A_117 : vector<16xf32> to vector<16xf32>
        tpu.vector_store %swap3A_295[%swap3A_296], %swap3A_299 {strides = array<i32>} : memref<64xf32, #tpu.memory_space<vmem>>, vector<16xf32>,
        %swap3A_300 = arith.constant 0 : i32
        %swap3A_301 = arith.constant 0 : i32
        %swap3A_302 = tpu.memref_slice %arg9[%select_n3A, %swap3A_300, %swap3A_301] : memref<4x128x64xf32, #tpu.memory_space<vmem>> -> memref<1x128x64xf32, #tpu.memory_space<vmem>>
        %swap3A_303 = tpu.memref_squeeze %swap3A_302 : memref<1x128x64xf32, #tpu.memory_space<vmem>> -> memref<128x64xf32, #tpu.memory_space<vmem>>
        %swap3A_304 = arith.constant 0 : i32
        %swap3A_305 = tpu.memref_slice %swap3A_303[%rem3A_278, %swap3A_304] : memref<128x64xf32, #tpu.memory_space<vmem>> -> memref<1x64xf32, #tpu.memory_space<vmem>>
        %swap3A_306 = tpu.memref_squeeze %swap3A_305 : memref<1x64xf32, #tpu.memory_space<vmem>> -> memref<64xf32, #tpu.memory_space<vmem>>
        %swap3A_307 = arith.constant 32 : index
        %swap3A_308 = tpu.vector_load %swap3A_306[%swap3A_307] {strides = array<i32>} : memref<64xf32, #tpu.memory_space<vmem>>, vector<16xf32>,
        %swap3A_309 = vector.shape_cast %swap3A_308 : vector<16xf32> to vector<16xf32>
        %swap3A_310 = vector.shape_cast %get3A_122 : vector<16xf32> to vector<16xf32>
        tpu.vector_store %swap3A_306[%swap3A_307], %swap3A_310 {strides = array<i32>} : memref<64xf32, #tpu.memory_space<vmem>>, vector<16xf32>,
        %swap3A_311 = arith.constant 0 : i32
        %swap3A_312 = arith.constant 0 : i32
        %swap3A_313 = tpu.memref_slice %arg9[%select_n3A, %swap3A_311, %swap3A_312] : memref<4x128x64xf32, #tpu.memory_space<vmem>> -> memref<1x128x64xf32, #tpu.memory_space<vmem>>
        %swap3A_314 = tpu.memref_squeeze %swap3A_313 : memref<1x128x64xf32, #tpu.memory_space<vmem>> -> memref<128x64xf32, #tpu.memory_space<vmem>>
        %swap3A_315 = arith.constant 0 : i32
        %swap3A_316 = tpu.memref_slice %swap3A_314[%rem3A_278, %swap3A_315] : memref<128x64xf32, #tpu.memory_space<vmem>> -> memref<1x64xf32, #tpu.memory_space<vmem>>
        %swap3A_317 = tpu.memref_squeeze %swap3A_316 : memref<1x64xf32, #tpu.memory_space<vmem>> -> memref<64xf32, #tpu.memory_space<vmem>>
        %swap3A_318 = arith.constant 48 : index
        %swap3A_319 = tpu.vector_load %swap3A_317[%swap3A_318] {strides = array<i32>} : memref<64xf32, #tpu.memory_space<vmem>>, vector<16xf32>,
        %swap3A_320 = vector.shape_cast %swap3A_319 : vector<16xf32> to vector<16xf32>
        %swap3A_321 = vector.shape_cast %get3A_127 : vector<16xf32> to vector<16xf32>
        tpu.vector_store %swap3A_317[%swap3A_318], %swap3A_321 {strides = array<i32>} : memref<64xf32, #tpu.memory_space<vmem>>, vector<16xf32>,
      } else {
      }
      %slice3A_166 = vector.extract_strided_slice %get3A_149 {offsets = [3], sizes = [1], strides = [1]} : vector<16xi32> to vector<1xi32>
      %squeeze3A_167 = vector.extract %slice3A_166[0] : i32 from vector<1xi32>
      %eq3A_168 = arith.constant 1 : i32
      %eq3A_169 = arith.cmpi eq, %squeeze3A_167, %eq3A_168 : i32
      %convert_element_type3A_170 = arith.extui %eq3A_169 : i1 to i32
      %cond3A_171 = arith.constant 0 : i32
      %cond3A_172 = arith.cmpi ne, %convert_element_type3A_170, %cond3A_171 : i32
      scf.if %cond3A_172 {
        %mul3A_257 = arith.constant 16 : i32
        %mul3A_258 = arith.muli %scan3A_144, %mul3A_257 : i32
        %add3A_259 = arith.constant 3 : i32
        %add3A_260 = arith.addi %mul3A_258, %add3A_259 : i32
        %jit3A = arith.constant 128 : i32
        %div3A = arith.divsi %add3A_260, %jit3A : i32
        %sign3A = arith.constant 0 : i32
        %sign3A_261 = arith.cmpi sgt, %add3A_260, %sign3A : i32
        %sign3A_262 = arith.extui %sign3A_261 : i1 to i32
        %sign3A_263 = arith.constant 0 : i32
        %sign3A_264 = arith.cmpi slt, %add3A_260, %sign3A_263 : i32
        %sign3A_265 = arith.extui %sign3A_264 : i1 to i32
        %sign3A_266 = arith.subi %sign3A_262, %sign3A_265 : i32
        %sign3A_267 = arith.constant 0 : i32
        %sign3A_268 = arith.cmpi sgt, %jit3A, %sign3A_267 : i32
        %sign3A_269 = arith.extui %sign3A_268 : i1 to i32
        %sign3A_270 = arith.constant 0 : i32
        %sign3A_271 = arith.cmpi slt, %jit3A, %sign3A_270 : i32
        %sign3A_272 = arith.extui %sign3A_271 : i1 to i32
        %sign3A_273 = arith.subi %sign3A_269, %sign3A_272 : i32
        %ne3A = arith.cmpi ne, %sign3A_266, %sign3A_273 : i32
        %rem3A = arith.remsi %add3A_260, %jit3A : i32
        %ne3A_274 = arith.constant 0 : i32
        %ne3A_275 = arith.cmpi ne, %rem3A, %ne3A_274 : i32
        %and3A = arith.andi %ne3A, %ne3A_275 : i1
        %sub3A = arith.constant 1 : i32
        %sub3A_276 = arith.subi %div3A, %sub3A : i32
        %select_n3A = arith.select %and3A, %sub3A_276, %div3A : i32
        %rem3A_277 = arith.constant 128 : i32
        %rem3A_278 = arith.remsi %add3A_260, %rem3A_277 : i32
        %swap3A = arith.constant 0 : i32
        %swap3A_279 = arith.constant 0 : i32
        %swap3A_280 = tpu.memref_slice %arg9[%select_n3A, %swap3A, %swap3A_279] : memref<4x128x64xf32, #tpu.memory_space<vmem>> -> memref<1x128x64xf32, #tpu.memory_space<vmem>>
        %swap3A_281 = tpu.memref_squeeze %swap3A_280 : memref<1x128x64xf32, #tpu.memory_space<vmem>> -> memref<128x64xf32, #tpu.memory_space<vmem>>
        %swap3A_282 = arith.constant 0 : i32
        %swap3A_283 = tpu.memref_slice %swap3A_281[%rem3A_278, %swap3A_282] : memref<128x64xf32, #tpu.memory_space<vmem>> -> memref<1x64xf32, #tpu.memory_space<vmem>>
        %swap3A_284 = tpu.memref_squeeze %swap3A_283 : memref<1x64xf32, #tpu.memory_space<vmem>> -> memref<64xf32, #tpu.memory_space<vmem>>
        %swap3A_285 = arith.constant 0 : index
        %swap3A_286 = tpu.vector_load %swap3A_284[%swap3A_285] {strides = array<i32>} : memref<64xf32, #tpu.memory_space<vmem>>, vector<16xf32>,
        %swap3A_287 = vector.shape_cast %swap3A_286 : vector<16xf32> to vector<16xf32>
        %swap3A_288 = vector.shape_cast %get3A_112 : vector<16xf32> to vector<16xf32>
        tpu.vector_store %swap3A_284[%swap3A_285], %swap3A_288 {strides = array<i32>} : memref<64xf32, #tpu.memory_space<vmem>>, vector<16xf32>,
        %swap3A_289 = arith.constant 0 : i32
        %swap3A_290 = arith.constant 0 : i32
        %swap3A_291 = tpu.memref_slice %arg9[%select_n3A, %swap3A_289, %swap3A_290] : memref<4x128x64xf32, #tpu.memory_space<vmem>> -> memref<1x128x64xf32, #tpu.memory_space<vmem>>
        %swap3A_292 = tpu.memref_squeeze %swap3A_291 : memref<1x128x64xf32, #tpu.memory_space<vmem>> -> memref<128x64xf32, #tpu.memory_space<vmem>>
        %swap3A_293 = arith.constant 0 : i32
        %swap3A_294 = tpu.memref_slice %swap3A_292[%rem3A_278, %swap3A_293] : memref<128x64xf32, #tpu.memory_space<vmem>> -> memref<1x64xf32, #tpu.memory_space<vmem>>
        %swap3A_295 = tpu.memref_squeeze %swap3A_294 : memref<1x64xf32, #tpu.memory_space<vmem>> -> memref<64xf32, #tpu.memory_space<vmem>>
        %swap3A_296 = arith.constant 16 : index
        %swap3A_297 = tpu.vector_load %swap3A_295[%swap3A_296] {strides = array<i32>} : memref<64xf32, #tpu.memory_space<vmem>>, vector<16xf32>,
        %swap3A_298 = vector.shape_cast %swap3A_297 : vector<16xf32> to vector<16xf32>
        %swap3A_299 = vector.shape_cast %get3A_117 : vector<16xf32> to vector<16xf32>
        tpu.vector_store %swap3A_295[%swap3A_296], %swap3A_299 {strides = array<i32>} : memref<64xf32, #tpu.memory_space<vmem>>, vector<16xf32>,
        %swap3A_300 = arith.constant 0 : i32
        %swap3A_301 = arith.constant 0 : i32
        %swap3A_302 = tpu.memref_slice %arg9[%select_n3A, %swap3A_300, %swap3A_301] : memref<4x128x64xf32, #tpu.memory_space<vmem>> -> memref<1x128x64xf32, #tpu.memory_space<vmem>>
        %swap3A_303 = tpu.memref_squeeze %swap3A_302 : memref<1x128x64xf32, #tpu.memory_space<vmem>> -> memref<128x64xf32, #tpu.memory_space<vmem>>
        %swap3A_304 = arith.constant 0 : i32
        %swap3A_305 = tpu.memref_slice %swap3A_303[%rem3A_278, %swap3A_304] : memref<128x64xf32, #tpu.memory_space<vmem>> -> memref<1x64xf32, #tpu.memory_space<vmem>>
        %swap3A_306 = tpu.memref_squeeze %swap3A_305 : memref<1x64xf32, #tpu.memory_space<vmem>> -> memref<64xf32, #tpu.memory_space<vmem>>
        %swap3A_307 = arith.constant 32 : index
        %swap3A_308 = tpu.vector_load %swap3A_306[%swap3A_307] {strides = array<i32>} : memref<64xf32, #tpu.memory_space<vmem>>, vector<16xf32>,
        %swap3A_309 = vector.shape_cast %swap3A_308 : vector<16xf32> to vector<16xf32>
        %swap3A_310 = vector.shape_cast %get3A_122 : vector<16xf32> to vector<16xf32>
        tpu.vector_store %swap3A_306[%swap3A_307], %swap3A_310 {strides = array<i32>} : memref<64xf32, #tpu.memory_space<vmem>>, vector<16xf32>,
        %swap3A_311 = arith.constant 0 : i32
        %swap3A_312 = arith.constant 0 : i32
        %swap3A_313 = tpu.memref_slice %arg9[%select_n3A, %swap3A_311, %swap3A_312] : memref<4x128x64xf32, #tpu.memory_space<vmem>> -> memref<1x128x64xf32, #tpu.memory_space<vmem>>
        %swap3A_314 = tpu.memref_squeeze %swap3A_313 : memref<1x128x64xf32, #tpu.memory_space<vmem>> -> memref<128x64xf32, #tpu.memory_space<vmem>>
        %swap3A_315 = arith.constant 0 : i32
        %swap3A_316 = tpu.memref_slice %swap3A_314[%rem3A_278, %swap3A_315] : memref<128x64xf32, #tpu.memory_space<vmem>> -> memref<1x64xf32, #tpu.memory_space<vmem>>
        %swap3A_317 = tpu.memref_squeeze %swap3A_316 : memref<1x64xf32, #tpu.memory_space<vmem>> -> memref<64xf32, #tpu.memory_space<vmem>>
        %swap3A_318 = arith.constant 48 : index
        %swap3A_319 = tpu.vector_load %swap3A_317[%swap3A_318] {strides = array<i32>} : memref<64xf32, #tpu.memory_space<vmem>>, vector<16xf32>,
        %swap3A_320 = vector.shape_cast %swap3A_319 : vector<16xf32> to vector<16xf32>
        %swap3A_321 = vector.shape_cast %get3A_127 : vector<16xf32> to vector<16xf32>
        tpu.vector_store %swap3A_317[%swap3A_318], %swap3A_321 {strides = array<i32>} : memref<64xf32, #tpu.memory_space<vmem>>, vector<16xf32>,
      } else {
      }
      %slice3A_173 = vector.extract_strided_slice %get3A_149 {offsets = [4], sizes = [1], strides = [1]} : vector<16xi32> to vector<1xi32>
      %squeeze3A_174 = vector.extract %slice3A_173[0] : i32 from vector<1xi32>
      %eq3A_175 = arith.constant 1 : i32
      %eq3A_176 = arith.cmpi eq, %squeeze3A_174, %eq3A_175 : i32
      %convert_element_type3A_177 = arith.extui %eq3A_176 : i1 to i32
      %cond3A_178 = arith.constant 0 : i32
      %cond3A_179 = arith.cmpi ne, %convert_element_type3A_177, %cond3A_178 : i32
      scf.if %cond3A_179 {
        %mul3A_257 = arith.constant 16 : i32
        %mul3A_258 = arith.muli %scan3A_144, %mul3A_257 : i32
        %add3A_259 = arith.constant 4 : i32
        %add3A_260 = arith.addi %mul3A_258, %add3A_259 : i32
        %jit3A = arith.constant 128 : i32
        %div3A = arith.divsi %add3A_260, %jit3A : i32
        %sign3A = arith.constant 0 : i32
        %sign3A_261 = arith.cmpi sgt, %add3A_260, %sign3A : i32
        %sign3A_262 = arith.extui %sign3A_261 : i1 to i32
        %sign3A_263 = arith.constant 0 : i32
        %sign3A_264 = arith.cmpi slt, %add3A_260, %sign3A_263 : i32
        %sign3A_265 = arith.extui %sign3A_264 : i1 to i32
        %sign3A_266 = arith.subi %sign3A_262, %sign3A_265 : i32
        %sign3A_267 = arith.constant 0 : i32
        %sign3A_268 = arith.cmpi sgt, %jit3A, %sign3A_267 : i32
        %sign3A_269 = arith.extui %sign3A_268 : i1 to i32
        %sign3A_270 = arith.constant 0 : i32
        %sign3A_271 = arith.cmpi slt, %jit3A, %sign3A_270 : i32
        %sign3A_272 = arith.extui %sign3A_271 : i1 to i32
        %sign3A_273 = arith.subi %sign3A_269, %sign3A_272 : i32
        %ne3A = arith.cmpi ne, %sign3A_266, %sign3A_273 : i32
        %rem3A = arith.remsi %add3A_260, %jit3A : i32
        %ne3A_274 = arith.constant 0 : i32
        %ne3A_275 = arith.cmpi ne, %rem3A, %ne3A_274 : i32
        %and3A = arith.andi %ne3A, %ne3A_275 : i1
        %sub3A = arith.constant 1 : i32
        %sub3A_276 = arith.subi %div3A, %sub3A : i32
        %select_n3A = arith.select %and3A, %sub3A_276, %div3A : i32
        %rem3A_277 = arith.constant 128 : i32
        %rem3A_278 = arith.remsi %add3A_260, %rem3A_277 : i32
        %swap3A = arith.constant 0 : i32
        %swap3A_279 = arith.constant 0 : i32
        %swap3A_280 = tpu.memref_slice %arg9[%select_n3A, %swap3A, %swap3A_279] : memref<4x128x64xf32, #tpu.memory_space<vmem>> -> memref<1x128x64xf32, #tpu.memory_space<vmem>>
        %swap3A_281 = tpu.memref_squeeze %swap3A_280 : memref<1x128x64xf32, #tpu.memory_space<vmem>> -> memref<128x64xf32, #tpu.memory_space<vmem>>
        %swap3A_282 = arith.constant 0 : i32
        %swap3A_283 = tpu.memref_slice %swap3A_281[%rem3A_278, %swap3A_282] : memref<128x64xf32, #tpu.memory_space<vmem>> -> memref<1x64xf32, #tpu.memory_space<vmem>>
        %swap3A_284 = tpu.memref_squeeze %swap3A_283 : memref<1x64xf32, #tpu.memory_space<vmem>> -> memref<64xf32, #tpu.memory_space<vmem>>
        %swap3A_285 = arith.constant 0 : index
        %swap3A_286 = tpu.vector_load %swap3A_284[%swap3A_285] {strides = array<i32>} : memref<64xf32, #tpu.memory_space<vmem>>, vector<16xf32>,
        %swap3A_287 = vector.shape_cast %swap3A_286 : vector<16xf32> to vector<16xf32>
        %swap3A_288 = vector.shape_cast %get3A_112 : vector<16xf32> to vector<16xf32>
        tpu.vector_store %swap3A_284[%swap3A_285], %swap3A_288 {strides = array<i32>} : memref<64xf32, #tpu.memory_space<vmem>>, vector<16xf32>,
        %swap3A_289 = arith.constant 0 : i32
        %swap3A_290 = arith.constant 0 : i32
        %swap3A_291 = tpu.memref_slice %arg9[%select_n3A, %swap3A_289, %swap3A_290] : memref<4x128x64xf32, #tpu.memory_space<vmem>> -> memref<1x128x64xf32, #tpu.memory_space<vmem>>
        %swap3A_292 = tpu.memref_squeeze %swap3A_291 : memref<1x128x64xf32, #tpu.memory_space<vmem>> -> memref<128x64xf32, #tpu.memory_space<vmem>>
        %swap3A_293 = arith.constant 0 : i32
        %swap3A_294 = tpu.memref_slice %swap3A_292[%rem3A_278, %swap3A_293] : memref<128x64xf32, #tpu.memory_space<vmem>> -> memref<1x64xf32, #tpu.memory_space<vmem>>
        %swap3A_295 = tpu.memref_squeeze %swap3A_294 : memref<1x64xf32, #tpu.memory_space<vmem>> -> memref<64xf32, #tpu.memory_space<vmem>>
        %swap3A_296 = arith.constant 16 : index
        %swap3A_297 = tpu.vector_load %swap3A_295[%swap3A_296] {strides = array<i32>} : memref<64xf32, #tpu.memory_space<vmem>>, vector<16xf32>,
        %swap3A_298 = vector.shape_cast %swap3A_297 : vector<16xf32> to vector<16xf32>
        %swap3A_299 = vector.shape_cast %get3A_117 : vector<16xf32> to vector<16xf32>
        tpu.vector_store %swap3A_295[%swap3A_296], %swap3A_299 {strides = array<i32>} : memref<64xf32, #tpu.memory_space<vmem>>, vector<16xf32>,
        %swap3A_300 = arith.constant 0 : i32
        %swap3A_301 = arith.constant 0 : i32
        %swap3A_302 = tpu.memref_slice %arg9[%select_n3A, %swap3A_300, %swap3A_301] : memref<4x128x64xf32, #tpu.memory_space<vmem>> -> memref<1x128x64xf32, #tpu.memory_space<vmem>>
        %swap3A_303 = tpu.memref_squeeze %swap3A_302 : memref<1x128x64xf32, #tpu.memory_space<vmem>> -> memref<128x64xf32, #tpu.memory_space<vmem>>
        %swap3A_304 = arith.constant 0 : i32
        %swap3A_305 = tpu.memref_slice %swap3A_303[%rem3A_278, %swap3A_304] : memref<128x64xf32, #tpu.memory_space<vmem>> -> memref<1x64xf32, #tpu.memory_space<vmem>>
        %swap3A_306 = tpu.memref_squeeze %swap3A_305 : memref<1x64xf32, #tpu.memory_space<vmem>> -> memref<64xf32, #tpu.memory_space<vmem>>
        %swap3A_307 = arith.constant 32 : index
        %swap3A_308 = tpu.vector_load %swap3A_306[%swap3A_307] {strides = array<i32>} : memref<64xf32, #tpu.memory_space<vmem>>, vector<16xf32>,
        %swap3A_309 = vector.shape_cast %swap3A_308 : vector<16xf32> to vector<16xf32>
        %swap3A_310 = vector.shape_cast %get3A_122 : vector<16xf32> to vector<16xf32>
        tpu.vector_store %swap3A_306[%swap3A_307], %swap3A_310 {strides = array<i32>} : memref<64xf32, #tpu.memory_space<vmem>>, vector<16xf32>,
        %swap3A_311 = arith.constant 0 : i32
        %swap3A_312 = arith.constant 0 : i32
        %swap3A_313 = tpu.memref_slice %arg9[%select_n3A, %swap3A_311, %swap3A_312] : memref<4x128x64xf32, #tpu.memory_space<vmem>> -> memref<1x128x64xf32, #tpu.memory_space<vmem>>
        %swap3A_314 = tpu.memref_squeeze %swap3A_313 : memref<1x128x64xf32, #tpu.memory_space<vmem>> -> memref<128x64xf32, #tpu.memory_space<vmem>>
        %swap3A_315 = arith.constant 0 : i32
        %swap3A_316 = tpu.memref_slice %swap3A_314[%rem3A_278, %swap3A_315] : memref<128x64xf32, #tpu.memory_space<vmem>> -> memref<1x64xf32, #tpu.memory_space<vmem>>
        %swap3A_317 = tpu.memref_squeeze %swap3A_316 : memref<1x64xf32, #tpu.memory_space<vmem>> -> memref<64xf32, #tpu.memory_space<vmem>>
        %swap3A_318 = arith.constant 48 : index
        %swap3A_319 = tpu.vector_load %swap3A_317[%swap3A_318] {strides = array<i32>} : memref<64xf32, #tpu.memory_space<vmem>>, vector<16xf32>,
        %swap3A_320 = vector.shape_cast %swap3A_319 : vector<16xf32> to vector<16xf32>
        %swap3A_321 = vector.shape_cast %get3A_127 : vector<16xf32> to vector<16xf32>
        tpu.vector_store %swap3A_317[%swap3A_318], %swap3A_321 {strides = array<i32>} : memref<64xf32, #tpu.memory_space<vmem>>, vector<16xf32>,
      } else {
      }
      %slice3A_180 = vector.extract_strided_slice %get3A_149 {offsets = [5], sizes = [1], strides = [1]} : vector<16xi32> to vector<1xi32>
      %squeeze3A_181 = vector.extract %slice3A_180[0] : i32 from vector<1xi32>
      %eq3A_182 = arith.constant 1 : i32
      %eq3A_183 = arith.cmpi eq, %squeeze3A_181, %eq3A_182 : i32
      %convert_element_type3A_184 = arith.extui %eq3A_183 : i1 to i32
      %cond3A_185 = arith.constant 0 : i32
      %cond3A_186 = arith.cmpi ne, %convert_element_type3A_184, %cond3A_185 : i32
      scf.if %cond3A_186 {
        %mul3A_257 = arith.constant 16 : i32
        %mul3A_258 = arith.muli %scan3A_144, %mul3A_257 : i32
        %add3A_259 = arith.constant 5 : i32
        %add3A_260 = arith.addi %mul3A_258, %add3A_259 : i32
        %jit3A = arith.constant 128 : i32
        %div3A = arith.divsi %add3A_260, %jit3A : i32
        %sign3A = arith.constant 0 : i32
        %sign3A_261 = arith.cmpi sgt, %add3A_260, %sign3A : i32
        %sign3A_262 = arith.extui %sign3A_261 : i1 to i32
        %sign3A_263 = arith.constant 0 : i32
        %sign3A_264 = arith.cmpi slt, %add3A_260, %sign3A_263 : i32
        %sign3A_265 = arith.extui %sign3A_264 : i1 to i32
        %sign3A_266 = arith.subi %sign3A_262, %sign3A_265 : i32
        %sign3A_267 = arith.constant 0 : i32
        %sign3A_268 = arith.cmpi sgt, %jit3A, %sign3A_267 : i32
        %sign3A_269 = arith.extui %sign3A_268 : i1 to i32
        %sign3A_270 = arith.constant 0 : i32
        %sign3A_271 = arith.cmpi slt, %jit3A, %sign3A_270 : i32
        %sign3A_272 = arith.extui %sign3A_271 : i1 to i32
        %sign3A_273 = arith.subi %sign3A_269, %sign3A_272 : i32
        %ne3A = arith.cmpi ne, %sign3A_266, %sign3A_273 : i32
        %rem3A = arith.remsi %add3A_260, %jit3A : i32
        %ne3A_274 = arith.constant 0 : i32
        %ne3A_275 = arith.cmpi ne, %rem3A, %ne3A_274 : i32
        %and3A = arith.andi %ne3A, %ne3A_275 : i1
        %sub3A = arith.constant 1 : i32
        %sub3A_276 = arith.subi %div3A, %sub3A : i32
        %select_n3A = arith.select %and3A, %sub3A_276, %div3A : i32
        %rem3A_277 = arith.constant 128 : i32
        %rem3A_278 = arith.remsi %add3A_260, %rem3A_277 : i32
        %swap3A = arith.constant 0 : i32
        %swap3A_279 = arith.constant 0 : i32
        %swap3A_280 = tpu.memref_slice %arg9[%select_n3A, %swap3A, %swap3A_279] : memref<4x128x64xf32, #tpu.memory_space<vmem>> -> memref<1x128x64xf32, #tpu.memory_space<vmem>>
        %swap3A_281 = tpu.memref_squeeze %swap3A_280 : memref<1x128x64xf32, #tpu.memory_space<vmem>> -> memref<128x64xf32, #tpu.memory_space<vmem>>
        %swap3A_282 = arith.constant 0 : i32
        %swap3A_283 = tpu.memref_slice %swap3A_281[%rem3A_278, %swap3A_282] : memref<128x64xf32, #tpu.memory_space<vmem>> -> memref<1x64xf32, #tpu.memory_space<vmem>>
        %swap3A_284 = tpu.memref_squeeze %swap3A_283 : memref<1x64xf32, #tpu.memory_space<vmem>> -> memref<64xf32, #tpu.memory_space<vmem>>
        %swap3A_285 = arith.constant 0 : index
        %swap3A_286 = tpu.vector_load %swap3A_284[%swap3A_285] {strides = array<i32>} : memref<64xf32, #tpu.memory_space<vmem>>, vector<16xf32>,
        %swap3A_287 = vector.shape_cast %swap3A_286 : vector<16xf32> to vector<16xf32>
        %swap3A_288 = vector.shape_cast %get3A_112 : vector<16xf32> to vector<16xf32>
        tpu.vector_store %swap3A_284[%swap3A_285], %swap3A_288 {strides = array<i32>} : memref<64xf32, #tpu.memory_space<vmem>>, vector<16xf32>,
        %swap3A_289 = arith.constant 0 : i32
        %swap3A_290 = arith.constant 0 : i32
        %swap3A_291 = tpu.memref_slice %arg9[%select_n3A, %swap3A_289, %swap3A_290] : memref<4x128x64xf32, #tpu.memory_space<vmem>> -> memref<1x128x64xf32, #tpu.memory_space<vmem>>
        %swap3A_292 = tpu.memref_squeeze %swap3A_291 : memref<1x128x64xf32, #tpu.memory_space<vmem>> -> memref<128x64xf32, #tpu.memory_space<vmem>>
        %swap3A_293 = arith.constant 0 : i32
        %swap3A_294 = tpu.memref_slice %swap3A_292[%rem3A_278, %swap3A_293] : memref<128x64xf32, #tpu.memory_space<vmem>> -> memref<1x64xf32, #tpu.memory_space<vmem>>
        %swap3A_295 = tpu.memref_squeeze %swap3A_294 : memref<1x64xf32, #tpu.memory_space<vmem>> -> memref<64xf32, #tpu.memory_space<vmem>>
        %swap3A_296 = arith.constant 16 : index
        %swap3A_297 = tpu.vector_load %swap3A_295[%swap3A_296] {strides = array<i32>} : memref<64xf32, #tpu.memory_space<vmem>>, vector<16xf32>,
        %swap3A_298 = vector.shape_cast %swap3A_297 : vector<16xf32> to vector<16xf32>
        %swap3A_299 = vector.shape_cast %get3A_117 : vector<16xf32> to vector<16xf32>
        tpu.vector_store %swap3A_295[%swap3A_296], %swap3A_299 {strides = array<i32>} : memref<64xf32, #tpu.memory_space<vmem>>, vector<16xf32>,
        %swap3A_300 = arith.constant 0 : i32
        %swap3A_301 = arith.constant 0 : i32
        %swap3A_302 = tpu.memref_slice %arg9[%select_n3A, %swap3A_300, %swap3A_301] : memref<4x128x64xf32, #tpu.memory_space<vmem>> -> memref<1x128x64xf32, #tpu.memory_space<vmem>>
        %swap3A_303 = tpu.memref_squeeze %swap3A_302 : memref<1x128x64xf32, #tpu.memory_space<vmem>> -> memref<128x64xf32, #tpu.memory_space<vmem>>
        %swap3A_304 = arith.constant 0 : i32
        %swap3A_305 = tpu.memref_slice %swap3A_303[%rem3A_278, %swap3A_304] : memref<128x64xf32, #tpu.memory_space<vmem>> -> memref<1x64xf32, #tpu.memory_space<vmem>>
        %swap3A_306 = tpu.memref_squeeze %swap3A_305 : memref<1x64xf32, #tpu.memory_space<vmem>> -> memref<64xf32, #tpu.memory_space<vmem>>
        %swap3A_307 = arith.constant 32 : index
        %swap3A_308 = tpu.vector_load %swap3A_306[%swap3A_307] {strides = array<i32>} : memref<64xf32, #tpu.memory_space<vmem>>, vector<16xf32>,
        %swap3A_309 = vector.shape_cast %swap3A_308 : vector<16xf32> to vector<16xf32>
        %swap3A_310 = vector.shape_cast %get3A_122 : vector<16xf32> to vector<16xf32>
        tpu.vector_store %swap3A_306[%swap3A_307], %swap3A_310 {strides = array<i32>} : memref<64xf32, #tpu.memory_space<vmem>>, vector<16xf32>,
        %swap3A_311 = arith.constant 0 : i32
        %swap3A_312 = arith.constant 0 : i32
        %swap3A_313 = tpu.memref_slice %arg9[%select_n3A, %swap3A_311, %swap3A_312] : memref<4x128x64xf32, #tpu.memory_space<vmem>> -> memref<1x128x64xf32, #tpu.memory_space<vmem>>
        %swap3A_314 = tpu.memref_squeeze %swap3A_313 : memref<1x128x64xf32, #tpu.memory_space<vmem>> -> memref<128x64xf32, #tpu.memory_space<vmem>>
        %swap3A_315 = arith.constant 0 : i32
        %swap3A_316 = tpu.memref_slice %swap3A_314[%rem3A_278, %swap3A_315] : memref<128x64xf32, #tpu.memory_space<vmem>> -> memref<1x64xf32, #tpu.memory_space<vmem>>
        %swap3A_317 = tpu.memref_squeeze %swap3A_316 : memref<1x64xf32, #tpu.memory_space<vmem>> -> memref<64xf32, #tpu.memory_space<vmem>>
        %swap3A_318 = arith.constant 48 : index
        %swap3A_319 = tpu.vector_load %swap3A_317[%swap3A_318] {strides = array<i32>} : memref<64xf32, #tpu.memory_space<vmem>>, vector<16xf32>,
        %swap3A_320 = vector.shape_cast %swap3A_319 : vector<16xf32> to vector<16xf32>
        %swap3A_321 = vector.shape_cast %get3A_127 : vector<16xf32> to vector<16xf32>
        tpu.vector_store %swap3A_317[%swap3A_318], %swap3A_321 {strides = array<i32>} : memref<64xf32, #tpu.memory_space<vmem>>, vector<16xf32>,
      } else {
      }
      %slice3A_187 = vector.extract_strided_slice %get3A_149 {offsets = [6], sizes = [1], strides = [1]} : vector<16xi32> to vector<1xi32>
      %squeeze3A_188 = vector.extract %slice3A_187[0] : i32 from vector<1xi32>
      %eq3A_189 = arith.constant 1 : i32
      %eq3A_190 = arith.cmpi eq, %squeeze3A_188, %eq3A_189 : i32
      %convert_element_type3A_191 = arith.extui %eq3A_190 : i1 to i32
      %cond3A_192 = arith.constant 0 : i32
      %cond3A_193 = arith.cmpi ne, %convert_element_type3A_191, %cond3A_192 : i32
      scf.if %cond3A_193 {
        %mul3A_257 = arith.constant 16 : i32
        %mul3A_258 = arith.muli %scan3A_144, %mul3A_257 : i32
        %add3A_259 = arith.constant 6 : i32
        %add3A_260 = arith.addi %mul3A_258, %add3A_259 : i32
        %jit3A = arith.constant 128 : i32
        %div3A = arith.divsi %add3A_260, %jit3A : i32
        %sign3A = arith.constant 0 : i32
        %sign3A_261 = arith.cmpi sgt, %add3A_260, %sign3A : i32
        %sign3A_262 = arith.extui %sign3A_261 : i1 to i32
        %sign3A_263 = arith.constant 0 : i32
        %sign3A_264 = arith.cmpi slt, %add3A_260, %sign3A_263 : i32
        %sign3A_265 = arith.extui %sign3A_264 : i1 to i32
        %sign3A_266 = arith.subi %sign3A_262, %sign3A_265 : i32
        %sign3A_267 = arith.constant 0 : i32
        %sign3A_268 = arith.cmpi sgt, %jit3A, %sign3A_267 : i32
        %sign3A_269 = arith.extui %sign3A_268 : i1 to i32
        %sign3A_270 = arith.constant 0 : i32
        %sign3A_271 = arith.cmpi slt, %jit3A, %sign3A_270 : i32
        %sign3A_272 = arith.extui %sign3A_271 : i1 to i32
        %sign3A_273 = arith.subi %sign3A_269, %sign3A_272 : i32
        %ne3A = arith.cmpi ne, %sign3A_266, %sign3A_273 : i32
        %rem3A = arith.remsi %add3A_260, %jit3A : i32
        %ne3A_274 = arith.constant 0 : i32
        %ne3A_275 = arith.cmpi ne, %rem3A, %ne3A_274 : i32
        %and3A = arith.andi %ne3A, %ne3A_275 : i1
        %sub3A = arith.constant 1 : i32
        %sub3A_276 = arith.subi %div3A, %sub3A : i32
        %select_n3A = arith.select %and3A, %sub3A_276, %div3A : i32
        %rem3A_277 = arith.constant 128 : i32
        %rem3A_278 = arith.remsi %add3A_260, %rem3A_277 : i32
        %swap3A = arith.constant 0 : i32
        %swap3A_279 = arith.constant 0 : i32
        %swap3A_280 = tpu.memref_slice %arg9[%select_n3A, %swap3A, %swap3A_279] : memref<4x128x64xf32, #tpu.memory_space<vmem>> -> memref<1x128x64xf32, #tpu.memory_space<vmem>>
        %swap3A_281 = tpu.memref_squeeze %swap3A_280 : memref<1x128x64xf32, #tpu.memory_space<vmem>> -> memref<128x64xf32, #tpu.memory_space<vmem>>
        %swap3A_282 = arith.constant 0 : i32
        %swap3A_283 = tpu.memref_slice %swap3A_281[%rem3A_278, %swap3A_282] : memref<128x64xf32, #tpu.memory_space<vmem>> -> memref<1x64xf32, #tpu.memory_space<vmem>>
        %swap3A_284 = tpu.memref_squeeze %swap3A_283 : memref<1x64xf32, #tpu.memory_space<vmem>> -> memref<64xf32, #tpu.memory_space<vmem>>
        %swap3A_285 = arith.constant 0 : index
        %swap3A_286 = tpu.vector_load %swap3A_284[%swap3A_285] {strides = array<i32>} : memref<64xf32, #tpu.memory_space<vmem>>, vector<16xf32>,
        %swap3A_287 = vector.shape_cast %swap3A_286 : vector<16xf32> to vector<16xf32>
        %swap3A_288 = vector.shape_cast %get3A_112 : vector<16xf32> to vector<16xf32>
        tpu.vector_store %swap3A_284[%swap3A_285], %swap3A_288 {strides = array<i32>} : memref<64xf32, #tpu.memory_space<vmem>>, vector<16xf32>,
        %swap3A_289 = arith.constant 0 : i32
        %swap3A_290 = arith.constant 0 : i32
        %swap3A_291 = tpu.memref_slice %arg9[%select_n3A, %swap3A_289, %swap3A_290] : memref<4x128x64xf32, #tpu.memory_space<vmem>> -> memref<1x128x64xf32, #tpu.memory_space<vmem>>
        %swap3A_292 = tpu.memref_squeeze %swap3A_291 : memref<1x128x64xf32, #tpu.memory_space<vmem>> -> memref<128x64xf32, #tpu.memory_space<vmem>>
        %swap3A_293 = arith.constant 0 : i32
        %swap3A_294 = tpu.memref_slice %swap3A_292[%rem3A_278, %swap3A_293] : memref<128x64xf32, #tpu.memory_space<vmem>> -> memref<1x64xf32, #tpu.memory_space<vmem>>
        %swap3A_295 = tpu.memref_squeeze %swap3A_294 : memref<1x64xf32, #tpu.memory_space<vmem>> -> memref<64xf32, #tpu.memory_space<vmem>>
        %swap3A_296 = arith.constant 16 : index
        %swap3A_297 = tpu.vector_load %swap3A_295[%swap3A_296] {strides = array<i32>} : memref<64xf32, #tpu.memory_space<vmem>>, vector<16xf32>,
        %swap3A_298 = vector.shape_cast %swap3A_297 : vector<16xf32> to vector<16xf32>
        %swap3A_299 = vector.shape_cast %get3A_117 : vector<16xf32> to vector<16xf32>
        tpu.vector_store %swap3A_295[%swap3A_296], %swap3A_299 {strides = array<i32>} : memref<64xf32, #tpu.memory_space<vmem>>, vector<16xf32>,
        %swap3A_300 = arith.constant 0 : i32
        %swap3A_301 = arith.constant 0 : i32
        %swap3A_302 = tpu.memref_slice %arg9[%select_n3A, %swap3A_300, %swap3A_301] : memref<4x128x64xf32, #tpu.memory_space<vmem>> -> memref<1x128x64xf32, #tpu.memory_space<vmem>>
        %swap3A_303 = tpu.memref_squeeze %swap3A_302 : memref<1x128x64xf32, #tpu.memory_space<vmem>> -> memref<128x64xf32, #tpu.memory_space<vmem>>
        %swap3A_304 = arith.constant 0 : i32
        %swap3A_305 = tpu.memref_slice %swap3A_303[%rem3A_278, %swap3A_304] : memref<128x64xf32, #tpu.memory_space<vmem>> -> memref<1x64xf32, #tpu.memory_space<vmem>>
        %swap3A_306 = tpu.memref_squeeze %swap3A_305 : memref<1x64xf32, #tpu.memory_space<vmem>> -> memref<64xf32, #tpu.memory_space<vmem>>
        %swap3A_307 = arith.constant 32 : index
        %swap3A_308 = tpu.vector_load %swap3A_306[%swap3A_307] {strides = array<i32>} : memref<64xf32, #tpu.memory_space<vmem>>, vector<16xf32>,
        %swap3A_309 = vector.shape_cast %swap3A_308 : vector<16xf32> to vector<16xf32>
        %swap3A_310 = vector.shape_cast %get3A_122 : vector<16xf32> to vector<16xf32>
        tpu.vector_store %swap3A_306[%swap3A_307], %swap3A_310 {strides = array<i32>} : memref<64xf32, #tpu.memory_space<vmem>>, vector<16xf32>,
        %swap3A_311 = arith.constant 0 : i32
        %swap3A_312 = arith.constant 0 : i32
        %swap3A_313 = tpu.memref_slice %arg9[%select_n3A, %swap3A_311, %swap3A_312] : memref<4x128x64xf32, #tpu.memory_space<vmem>> -> memref<1x128x64xf32, #tpu.memory_space<vmem>>
        %swap3A_314 = tpu.memref_squeeze %swap3A_313 : memref<1x128x64xf32, #tpu.memory_space<vmem>> -> memref<128x64xf32, #tpu.memory_space<vmem>>
        %swap3A_315 = arith.constant 0 : i32
        %swap3A_316 = tpu.memref_slice %swap3A_314[%rem3A_278, %swap3A_315] : memref<128x64xf32, #tpu.memory_space<vmem>> -> memref<1x64xf32, #tpu.memory_space<vmem>>
        %swap3A_317 = tpu.memref_squeeze %swap3A_316 : memref<1x64xf32, #tpu.memory_space<vmem>> -> memref<64xf32, #tpu.memory_space<vmem>>
        %swap3A_318 = arith.constant 48 : index
        %swap3A_319 = tpu.vector_load %swap3A_317[%swap3A_318] {strides = array<i32>} : memref<64xf32, #tpu.memory_space<vmem>>, vector<16xf32>,
        %swap3A_320 = vector.shape_cast %swap3A_319 : vector<16xf32> to vector<16xf32>
        %swap3A_321 = vector.shape_cast %get3A_127 : vector<16xf32> to vector<16xf32>
        tpu.vector_store %swap3A_317[%swap3A_318], %swap3A_321 {strides = array<i32>} : memref<64xf32, #tpu.memory_space<vmem>>, vector<16xf32>,
      } else {
      }
      %slice3A_194 = vector.extract_strided_slice %get3A_149 {offsets = [7], sizes = [1], strides = [1]} : vector<16xi32> to vector<1xi32>
      %squeeze3A_195 = vector.extract %slice3A_194[0] : i32 from vector<1xi32>
      %eq3A_196 = arith.constant 1 : i32
      %eq3A_197 = arith.cmpi eq, %squeeze3A_195, %eq3A_196 : i32
      %convert_element_type3A_198 = arith.extui %eq3A_197 : i1 to i32
      %cond3A_199 = arith.constant 0 : i32
      %cond3A_200 = arith.cmpi ne, %convert_element_type3A_198, %cond3A_199 : i32
      scf.if %cond3A_200 {
        %mul3A_257 = arith.constant 16 : i32
        %mul3A_258 = arith.muli %scan3A_144, %mul3A_257 : i32
        %add3A_259 = arith.constant 7 : i32
        %add3A_260 = arith.addi %mul3A_258, %add3A_259 : i32
        %jit3A = arith.constant 128 : i32
        %div3A = arith.divsi %add3A_260, %jit3A : i32
        %sign3A = arith.constant 0 : i32
        %sign3A_261 = arith.cmpi sgt, %add3A_260, %sign3A : i32
        %sign3A_262 = arith.extui %sign3A_261 : i1 to i32
        %sign3A_263 = arith.constant 0 : i32
        %sign3A_264 = arith.cmpi slt, %add3A_260, %sign3A_263 : i32
        %sign3A_265 = arith.extui %sign3A_264 : i1 to i32
        %sign3A_266 = arith.subi %sign3A_262, %sign3A_265 : i32
        %sign3A_267 = arith.constant 0 : i32
        %sign3A_268 = arith.cmpi sgt, %jit3A, %sign3A_267 : i32
        %sign3A_269 = arith.extui %sign3A_268 : i1 to i32
        %sign3A_270 = arith.constant 0 : i32
        %sign3A_271 = arith.cmpi slt, %jit3A, %sign3A_270 : i32
        %sign3A_272 = arith.extui %sign3A_271 : i1 to i32
        %sign3A_273 = arith.subi %sign3A_269, %sign3A_272 : i32
        %ne3A = arith.cmpi ne, %sign3A_266, %sign3A_273 : i32
        %rem3A = arith.remsi %add3A_260, %jit3A : i32
        %ne3A_274 = arith.constant 0 : i32
        %ne3A_275 = arith.cmpi ne, %rem3A, %ne3A_274 : i32
        %and3A = arith.andi %ne3A, %ne3A_275 : i1
        %sub3A = arith.constant 1 : i32
        %sub3A_276 = arith.subi %div3A, %sub3A : i32
        %select_n3A = arith.select %and3A, %sub3A_276, %div3A : i32
        %rem3A_277 = arith.constant 128 : i32
        %rem3A_278 = arith.remsi %add3A_260, %rem3A_277 : i32
        %swap3A = arith.constant 0 : i32
        %swap3A_279 = arith.constant 0 : i32
        %swap3A_280 = tpu.memref_slice %arg9[%select_n3A, %swap3A, %swap3A_279] : memref<4x128x64xf32, #tpu.memory_space<vmem>> -> memref<1x128x64xf32, #tpu.memory_space<vmem>>
        %swap3A_281 = tpu.memref_squeeze %swap3A_280 : memref<1x128x64xf32, #tpu.memory_space<vmem>> -> memref<128x64xf32, #tpu.memory_space<vmem>>
        %swap3A_282 = arith.constant 0 : i32
        %swap3A_283 = tpu.memref_slice %swap3A_281[%rem3A_278, %swap3A_282] : memref<128x64xf32, #tpu.memory_space<vmem>> -> memref<1x64xf32, #tpu.memory_space<vmem>>
        %swap3A_284 = tpu.memref_squeeze %swap3A_283 : memref<1x64xf32, #tpu.memory_space<vmem>> -> memref<64xf32, #tpu.memory_space<vmem>>
        %swap3A_285 = arith.constant 0 : index
        %swap3A_286 = tpu.vector_load %swap3A_284[%swap3A_285] {strides = array<i32>} : memref<64xf32, #tpu.memory_space<vmem>>, vector<16xf32>,
        %swap3A_287 = vector.shape_cast %swap3A_286 : vector<16xf32> to vector<16xf32>
        %swap3A_288 = vector.shape_cast %get3A_112 : vector<16xf32> to vector<16xf32>
        tpu.vector_store %swap3A_284[%swap3A_285], %swap3A_288 {strides = array<i32>} : memref<64xf32, #tpu.memory_space<vmem>>, vector<16xf32>,
        %swap3A_289 = arith.constant 0 : i32
        %swap3A_290 = arith.constant 0 : i32
        %swap3A_291 = tpu.memref_slice %arg9[%select_n3A, %swap3A_289, %swap3A_290] : memref<4x128x64xf32, #tpu.memory_space<vmem>> -> memref<1x128x64xf32, #tpu.memory_space<vmem>>
        %swap3A_292 = tpu.memref_squeeze %swap3A_291 : memref<1x128x64xf32, #tpu.memory_space<vmem>> -> memref<128x64xf32, #tpu.memory_space<vmem>>
        %swap3A_293 = arith.constant 0 : i32
        %swap3A_294 = tpu.memref_slice %swap3A_292[%rem3A_278, %swap3A_293] : memref<128x64xf32, #tpu.memory_space<vmem>> -> memref<1x64xf32, #tpu.memory_space<vmem>>
        %swap3A_295 = tpu.memref_squeeze %swap3A_294 : memref<1x64xf32, #tpu.memory_space<vmem>> -> memref<64xf32, #tpu.memory_space<vmem>>
        %swap3A_296 = arith.constant 16 : index
        %swap3A_297 = tpu.vector_load %swap3A_295[%swap3A_296] {strides = array<i32>} : memref<64xf32, #tpu.memory_space<vmem>>, vector<16xf32>,
        %swap3A_298 = vector.shape_cast %swap3A_297 : vector<16xf32> to vector<16xf32>
        %swap3A_299 = vector.shape_cast %get3A_117 : vector<16xf32> to vector<16xf32>
        tpu.vector_store %swap3A_295[%swap3A_296], %swap3A_299 {strides = array<i32>} : memref<64xf32, #tpu.memory_space<vmem>>, vector<16xf32>,
        %swap3A_300 = arith.constant 0 : i32
        %swap3A_301 = arith.constant 0 : i32
        %swap3A_302 = tpu.memref_slice %arg9[%select_n3A, %swap3A_300, %swap3A_301] : memref<4x128x64xf32, #tpu.memory_space<vmem>> -> memref<1x128x64xf32, #tpu.memory_space<vmem>>
        %swap3A_303 = tpu.memref_squeeze %swap3A_302 : memref<1x128x64xf32, #tpu.memory_space<vmem>> -> memref<128x64xf32, #tpu.memory_space<vmem>>
        %swap3A_304 = arith.constant 0 : i32
        %swap3A_305 = tpu.memref_slice %swap3A_303[%rem3A_278, %swap3A_304] : memref<128x64xf32, #tpu.memory_space<vmem>> -> memref<1x64xf32, #tpu.memory_space<vmem>>
        %swap3A_306 = tpu.memref_squeeze %swap3A_305 : memref<1x64xf32, #tpu.memory_space<vmem>> -> memref<64xf32, #tpu.memory_space<vmem>>
        %swap3A_307 = arith.constant 32 : index
        %swap3A_308 = tpu.vector_load %swap3A_306[%swap3A_307] {strides = array<i32>} : memref<64xf32, #tpu.memory_space<vmem>>, vector<16xf32>,
        %swap3A_309 = vector.shape_cast %swap3A_308 : vector<16xf32> to vector<16xf32>
        %swap3A_310 = vector.shape_cast %get3A_122 : vector<16xf32> to vector<16xf32>
        tpu.vector_store %swap3A_306[%swap3A_307], %swap3A_310 {strides = array<i32>} : memref<64xf32, #tpu.memory_space<vmem>>, vector<16xf32>,
        %swap3A_311 = arith.constant 0 : i32
        %swap3A_312 = arith.constant 0 : i32
        %swap3A_313 = tpu.memref_slice %arg9[%select_n3A, %swap3A_311, %swap3A_312] : memref<4x128x64xf32, #tpu.memory_space<vmem>> -> memref<1x128x64xf32, #tpu.memory_space<vmem>>
        %swap3A_314 = tpu.memref_squeeze %swap3A_313 : memref<1x128x64xf32, #tpu.memory_space<vmem>> -> memref<128x64xf32, #tpu.memory_space<vmem>>
        %swap3A_315 = arith.constant 0 : i32
        %swap3A_316 = tpu.memref_slice %swap3A_314[%rem3A_278, %swap3A_315] : memref<128x64xf32, #tpu.memory_space<vmem>> -> memref<1x64xf32, #tpu.memory_space<vmem>>
        %swap3A_317 = tpu.memref_squeeze %swap3A_316 : memref<1x64xf32, #tpu.memory_space<vmem>> -> memref<64xf32, #tpu.memory_space<vmem>>
        %swap3A_318 = arith.constant 48 : index
        %swap3A_319 = tpu.vector_load %swap3A_317[%swap3A_318] {strides = array<i32>} : memref<64xf32, #tpu.memory_space<vmem>>, vector<16xf32>,
        %swap3A_320 = vector.shape_cast %swap3A_319 : vector<16xf32> to vector<16xf32>
        %swap3A_321 = vector.shape_cast %get3A_127 : vector<16xf32> to vector<16xf32>
        tpu.vector_store %swap3A_317[%swap3A_318], %swap3A_321 {strides = array<i32>} : memref<64xf32, #tpu.memory_space<vmem>>, vector<16xf32>,
      } else {
      }
      %slice3A_201 = vector.extract_strided_slice %get3A_149 {offsets = [8], sizes = [1], strides = [1]} : vector<16xi32> to vector<1xi32>
      %squeeze3A_202 = vector.extract %slice3A_201[0] : i32 from vector<1xi32>
      %eq3A_203 = arith.constant 1 : i32
      %eq3A_204 = arith.cmpi eq, %squeeze3A_202, %eq3A_203 : i32
      %convert_element_type3A_205 = arith.extui %eq3A_204 : i1 to i32
      %cond3A_206 = arith.constant 0 : i32
      %cond3A_207 = arith.cmpi ne, %convert_element_type3A_205, %cond3A_206 : i32
      scf.if %cond3A_207 {
        %mul3A_257 = arith.constant 16 : i32
        %mul3A_258 = arith.muli %scan3A_144, %mul3A_257 : i32
        %add3A_259 = arith.constant 8 : i32
        %add3A_260 = arith.addi %mul3A_258, %add3A_259 : i32
        %jit3A = arith.constant 128 : i32
        %div3A = arith.divsi %add3A_260, %jit3A : i32
        %sign3A = arith.constant 0 : i32
        %sign3A_261 = arith.cmpi sgt, %add3A_260, %sign3A : i32
        %sign3A_262 = arith.extui %sign3A_261 : i1 to i32
        %sign3A_263 = arith.constant 0 : i32
        %sign3A_264 = arith.cmpi slt, %add3A_260, %sign3A_263 : i32
        %sign3A_265 = arith.extui %sign3A_264 : i1 to i32
        %sign3A_266 = arith.subi %sign3A_262, %sign3A_265 : i32
        %sign3A_267 = arith.constant 0 : i32
        %sign3A_268 = arith.cmpi sgt, %jit3A, %sign3A_267 : i32
        %sign3A_269 = arith.extui %sign3A_268 : i1 to i32
        %sign3A_270 = arith.constant 0 : i32
        %sign3A_271 = arith.cmpi slt, %jit3A, %sign3A_270 : i32
        %sign3A_272 = arith.extui %sign3A_271 : i1 to i32
        %sign3A_273 = arith.subi %sign3A_269, %sign3A_272 : i32
        %ne3A = arith.cmpi ne, %sign3A_266, %sign3A_273 : i32
        %rem3A = arith.remsi %add3A_260, %jit3A : i32
        %ne3A_274 = arith.constant 0 : i32
        %ne3A_275 = arith.cmpi ne, %rem3A, %ne3A_274 : i32
        %and3A = arith.andi %ne3A, %ne3A_275 : i1
        %sub3A = arith.constant 1 : i32
        %sub3A_276 = arith.subi %div3A, %sub3A : i32
        %select_n3A = arith.select %and3A, %sub3A_276, %div3A : i32
        %rem3A_277 = arith.constant 128 : i32
        %rem3A_278 = arith.remsi %add3A_260, %rem3A_277 : i32
        %swap3A = arith.constant 0 : i32
        %swap3A_279 = arith.constant 0 : i32
        %swap3A_280 = tpu.memref_slice %arg9[%select_n3A, %swap3A, %swap3A_279] : memref<4x128x64xf32, #tpu.memory_space<vmem>> -> memref<1x128x64xf32, #tpu.memory_space<vmem>>
        %swap3A_281 = tpu.memref_squeeze %swap3A_280 : memref<1x128x64xf32, #tpu.memory_space<vmem>> -> memref<128x64xf32, #tpu.memory_space<vmem>>
        %swap3A_282 = arith.constant 0 : i32
        %swap3A_283 = tpu.memref_slice %swap3A_281[%rem3A_278, %swap3A_282] : memref<128x64xf32, #tpu.memory_space<vmem>> -> memref<1x64xf32, #tpu.memory_space<vmem>>
        %swap3A_284 = tpu.memref_squeeze %swap3A_283 : memref<1x64xf32, #tpu.memory_space<vmem>> -> memref<64xf32, #tpu.memory_space<vmem>>
        %swap3A_285 = arith.constant 0 : index
        %swap3A_286 = tpu.vector_load %swap3A_284[%swap3A_285] {strides = array<i32>} : memref<64xf32, #tpu.memory_space<vmem>>, vector<16xf32>,
        %swap3A_287 = vector.shape_cast %swap3A_286 : vector<16xf32> to vector<16xf32>
        %swap3A_288 = vector.shape_cast %get3A_112 : vector<16xf32> to vector<16xf32>
        tpu.vector_store %swap3A_284[%swap3A_285], %swap3A_288 {strides = array<i32>} : memref<64xf32, #tpu.memory_space<vmem>>, vector<16xf32>,
        %swap3A_289 = arith.constant 0 : i32
        %swap3A_290 = arith.constant 0 : i32
        %swap3A_291 = tpu.memref_slice %arg9[%select_n3A, %swap3A_289, %swap3A_290] : memref<4x128x64xf32, #tpu.memory_space<vmem>> -> memref<1x128x64xf32, #tpu.memory_space<vmem>>
        %swap3A_292 = tpu.memref_squeeze %swap3A_291 : memref<1x128x64xf32, #tpu.memory_space<vmem>> -> memref<128x64xf32, #tpu.memory_space<vmem>>
        %swap3A_293 = arith.constant 0 : i32
        %swap3A_294 = tpu.memref_slice %swap3A_292[%rem3A_278, %swap3A_293] : memref<128x64xf32, #tpu.memory_space<vmem>> -> memref<1x64xf32, #tpu.memory_space<vmem>>
        %swap3A_295 = tpu.memref_squeeze %swap3A_294 : memref<1x64xf32, #tpu.memory_space<vmem>> -> memref<64xf32, #tpu.memory_space<vmem>>
        %swap3A_296 = arith.constant 16 : index
        %swap3A_297 = tpu.vector_load %swap3A_295[%swap3A_296] {strides = array<i32>} : memref<64xf32, #tpu.memory_space<vmem>>, vector<16xf32>,
        %swap3A_298 = vector.shape_cast %swap3A_297 : vector<16xf32> to vector<16xf32>
        %swap3A_299 = vector.shape_cast %get3A_117 : vector<16xf32> to vector<16xf32>
        tpu.vector_store %swap3A_295[%swap3A_296], %swap3A_299 {strides = array<i32>} : memref<64xf32, #tpu.memory_space<vmem>>, vector<16xf32>,
        %swap3A_300 = arith.constant 0 : i32
        %swap3A_301 = arith.constant 0 : i32
        %swap3A_302 = tpu.memref_slice %arg9[%select_n3A, %swap3A_300, %swap3A_301] : memref<4x128x64xf32, #tpu.memory_space<vmem>> -> memref<1x128x64xf32, #tpu.memory_space<vmem>>
        %swap3A_303 = tpu.memref_squeeze %swap3A_302 : memref<1x128x64xf32, #tpu.memory_space<vmem>> -> memref<128x64xf32, #tpu.memory_space<vmem>>
        %swap3A_304 = arith.constant 0 : i32
        %swap3A_305 = tpu.memref_slice %swap3A_303[%rem3A_278, %swap3A_304] : memref<128x64xf32, #tpu.memory_space<vmem>> -> memref<1x64xf32, #tpu.memory_space<vmem>>
        %swap3A_306 = tpu.memref_squeeze %swap3A_305 : memref<1x64xf32, #tpu.memory_space<vmem>> -> memref<64xf32, #tpu.memory_space<vmem>>
        %swap3A_307 = arith.constant 32 : index
        %swap3A_308 = tpu.vector_load %swap3A_306[%swap3A_307] {strides = array<i32>} : memref<64xf32, #tpu.memory_space<vmem>>, vector<16xf32>,
        %swap3A_309 = vector.shape_cast %swap3A_308 : vector<16xf32> to vector<16xf32>
        %swap3A_310 = vector.shape_cast %get3A_122 : vector<16xf32> to vector<16xf32>
        tpu.vector_store %swap3A_306[%swap3A_307], %swap3A_310 {strides = array<i32>} : memref<64xf32, #tpu.memory_space<vmem>>, vector<16xf32>,
        %swap3A_311 = arith.constant 0 : i32
        %swap3A_312 = arith.constant 0 : i32
        %swap3A_313 = tpu.memref_slice %arg9[%select_n3A, %swap3A_311, %swap3A_312] : memref<4x128x64xf32, #tpu.memory_space<vmem>> -> memref<1x128x64xf32, #tpu.memory_space<vmem>>
        %swap3A_314 = tpu.memref_squeeze %swap3A_313 : memref<1x128x64xf32, #tpu.memory_space<vmem>> -> memref<128x64xf32, #tpu.memory_space<vmem>>
        %swap3A_315 = arith.constant 0 : i32
        %swap3A_316 = tpu.memref_slice %swap3A_314[%rem3A_278, %swap3A_315] : memref<128x64xf32, #tpu.memory_space<vmem>> -> memref<1x64xf32, #tpu.memory_space<vmem>>
        %swap3A_317 = tpu.memref_squeeze %swap3A_316 : memref<1x64xf32, #tpu.memory_space<vmem>> -> memref<64xf32, #tpu.memory_space<vmem>>
        %swap3A_318 = arith.constant 48 : index
        %swap3A_319 = tpu.vector_load %swap3A_317[%swap3A_318] {strides = array<i32>} : memref<64xf32, #tpu.memory_space<vmem>>, vector<16xf32>,
        %swap3A_320 = vector.shape_cast %swap3A_319 : vector<16xf32> to vector<16xf32>
        %swap3A_321 = vector.shape_cast %get3A_127 : vector<16xf32> to vector<16xf32>
        tpu.vector_store %swap3A_317[%swap3A_318], %swap3A_321 {strides = array<i32>} : memref<64xf32, #tpu.memory_space<vmem>>, vector<16xf32>,
      } else {
      }
      %slice3A_208 = vector.extract_strided_slice %get3A_149 {offsets = [9], sizes = [1], strides = [1]} : vector<16xi32> to vector<1xi32>
      %squeeze3A_209 = vector.extract %slice3A_208[0] : i32 from vector<1xi32>
      %eq3A_210 = arith.constant 1 : i32
      %eq3A_211 = arith.cmpi eq, %squeeze3A_209, %eq3A_210 : i32
      %convert_element_type3A_212 = arith.extui %eq3A_211 : i1 to i32
      %cond3A_213 = arith.constant 0 : i32
      %cond3A_214 = arith.cmpi ne, %convert_element_type3A_212, %cond3A_213 : i32
      scf.if %cond3A_214 {
        %mul3A_257 = arith.constant 16 : i32
        %mul3A_258 = arith.muli %scan3A_144, %mul3A_257 : i32
        %add3A_259 = arith.constant 9 : i32
        %add3A_260 = arith.addi %mul3A_258, %add3A_259 : i32
        %jit3A = arith.constant 128 : i32
        %div3A = arith.divsi %add3A_260, %jit3A : i32
        %sign3A = arith.constant 0 : i32
        %sign3A_261 = arith.cmpi sgt, %add3A_260, %sign3A : i32
        %sign3A_262 = arith.extui %sign3A_261 : i1 to i32
        %sign3A_263 = arith.constant 0 : i32
        %sign3A_264 = arith.cmpi slt, %add3A_260, %sign3A_263 : i32
        %sign3A_265 = arith.extui %sign3A_264 : i1 to i32
        %sign3A_266 = arith.subi %sign3A_262, %sign3A_265 : i32
        %sign3A_267 = arith.constant 0 : i32
        %sign3A_268 = arith.cmpi sgt, %jit3A, %sign3A_267 : i32
        %sign3A_269 = arith.extui %sign3A_268 : i1 to i32
        %sign3A_270 = arith.constant 0 : i32
        %sign3A_271 = arith.cmpi slt, %jit3A, %sign3A_270 : i32
        %sign3A_272 = arith.extui %sign3A_271 : i1 to i32
        %sign3A_273 = arith.subi %sign3A_269, %sign3A_272 : i32
        %ne3A = arith.cmpi ne, %sign3A_266, %sign3A_273 : i32
        %rem3A = arith.remsi %add3A_260, %jit3A : i32
        %ne3A_274 = arith.constant 0 : i32
        %ne3A_275 = arith.cmpi ne, %rem3A, %ne3A_274 : i32
        %and3A = arith.andi %ne3A, %ne3A_275 : i1
        %sub3A = arith.constant 1 : i32
        %sub3A_276 = arith.subi %div3A, %sub3A : i32
        %select_n3A = arith.select %and3A, %sub3A_276, %div3A : i32
        %rem3A_277 = arith.constant 128 : i32
        %rem3A_278 = arith.remsi %add3A_260, %rem3A_277 : i32
        %swap3A = arith.constant 0 : i32
        %swap3A_279 = arith.constant 0 : i32
        %swap3A_280 = tpu.memref_slice %arg9[%select_n3A, %swap3A, %swap3A_279] : memref<4x128x64xf32, #tpu.memory_space<vmem>> -> memref<1x128x64xf32, #tpu.memory_space<vmem>>
        %swap3A_281 = tpu.memref_squeeze %swap3A_280 : memref<1x128x64xf32, #tpu.memory_space<vmem>> -> memref<128x64xf32, #tpu.memory_space<vmem>>
        %swap3A_282 = arith.constant 0 : i32
        %swap3A_283 = tpu.memref_slice %swap3A_281[%rem3A_278, %swap3A_282] : memref<128x64xf32, #tpu.memory_space<vmem>> -> memref<1x64xf32, #tpu.memory_space<vmem>>
        %swap3A_284 = tpu.memref_squeeze %swap3A_283 : memref<1x64xf32, #tpu.memory_space<vmem>> -> memref<64xf32, #tpu.memory_space<vmem>>
        %swap3A_285 = arith.constant 0 : index
        %swap3A_286 = tpu.vector_load %swap3A_284[%swap3A_285] {strides = array<i32>} : memref<64xf32, #tpu.memory_space<vmem>>, vector<16xf32>,
        %swap3A_287 = vector.shape_cast %swap3A_286 : vector<16xf32> to vector<16xf32>
        %swap3A_288 = vector.shape_cast %get3A_112 : vector<16xf32> to vector<16xf32>
        tpu.vector_store %swap3A_284[%swap3A_285], %swap3A_288 {strides = array<i32>} : memref<64xf32, #tpu.memory_space<vmem>>, vector<16xf32>,
        %swap3A_289 = arith.constant 0 : i32
        %swap3A_290 = arith.constant 0 : i32
        %swap3A_291 = tpu.memref_slice %arg9[%select_n3A, %swap3A_289, %swap3A_290] : memref<4x128x64xf32, #tpu.memory_space<vmem>> -> memref<1x128x64xf32, #tpu.memory_space<vmem>>
        %swap3A_292 = tpu.memref_squeeze %swap3A_291 : memref<1x128x64xf32, #tpu.memory_space<vmem>> -> memref<128x64xf32, #tpu.memory_space<vmem>>
        %swap3A_293 = arith.constant 0 : i32
        %swap3A_294 = tpu.memref_slice %swap3A_292[%rem3A_278, %swap3A_293] : memref<128x64xf32, #tpu.memory_space<vmem>> -> memref<1x64xf32, #tpu.memory_space<vmem>>
        %swap3A_295 = tpu.memref_squeeze %swap3A_294 : memref<1x64xf32, #tpu.memory_space<vmem>> -> memref<64xf32, #tpu.memory_space<vmem>>
        %swap3A_296 = arith.constant 16 : index
        %swap3A_297 = tpu.vector_load %swap3A_295[%swap3A_296] {strides = array<i32>} : memref<64xf32, #tpu.memory_space<vmem>>, vector<16xf32>,
        %swap3A_298 = vector.shape_cast %swap3A_297 : vector<16xf32> to vector<16xf32>
        %swap3A_299 = vector.shape_cast %get3A_117 : vector<16xf32> to vector<16xf32>
        tpu.vector_store %swap3A_295[%swap3A_296], %swap3A_299 {strides = array<i32>} : memref<64xf32, #tpu.memory_space<vmem>>, vector<16xf32>,
        %swap3A_300 = arith.constant 0 : i32
        %swap3A_301 = arith.constant 0 : i32
        %swap3A_302 = tpu.memref_slice %arg9[%select_n3A, %swap3A_300, %swap3A_301] : memref<4x128x64xf32, #tpu.memory_space<vmem>> -> memref<1x128x64xf32, #tpu.memory_space<vmem>>
        %swap3A_303 = tpu.memref_squeeze %swap3A_302 : memref<1x128x64xf32, #tpu.memory_space<vmem>> -> memref<128x64xf32, #tpu.memory_space<vmem>>
        %swap3A_304 = arith.constant 0 : i32
        %swap3A_305 = tpu.memref_slice %swap3A_303[%rem3A_278, %swap3A_304] : memref<128x64xf32, #tpu.memory_space<vmem>> -> memref<1x64xf32, #tpu.memory_space<vmem>>
        %swap3A_306 = tpu.memref_squeeze %swap3A_305 : memref<1x64xf32, #tpu.memory_space<vmem>> -> memref<64xf32, #tpu.memory_space<vmem>>
        %swap3A_307 = arith.constant 32 : index
        %swap3A_308 = tpu.vector_load %swap3A_306[%swap3A_307] {strides = array<i32>} : memref<64xf32, #tpu.memory_space<vmem>>, vector<16xf32>,
        %swap3A_309 = vector.shape_cast %swap3A_308 : vector<16xf32> to vector<16xf32>
        %swap3A_310 = vector.shape_cast %get3A_122 : vector<16xf32> to vector<16xf32>
        tpu.vector_store %swap3A_306[%swap3A_307], %swap3A_310 {strides = array<i32>} : memref<64xf32, #tpu.memory_space<vmem>>, vector<16xf32>,
        %swap3A_311 = arith.constant 0 : i32
        %swap3A_312 = arith.constant 0 : i32
        %swap3A_313 = tpu.memref_slice %arg9[%select_n3A, %swap3A_311, %swap3A_312] : memref<4x128x64xf32, #tpu.memory_space<vmem>> -> memref<1x128x64xf32, #tpu.memory_space<vmem>>
        %swap3A_314 = tpu.memref_squeeze %swap3A_313 : memref<1x128x64xf32, #tpu.memory_space<vmem>> -> memref<128x64xf32, #tpu.memory_space<vmem>>
        %swap3A_315 = arith.constant 0 : i32
        %swap3A_316 = tpu.memref_slice %swap3A_314[%rem3A_278, %swap3A_315] : memref<128x64xf32, #tpu.memory_space<vmem>> -> memref<1x64xf32, #tpu.memory_space<vmem>>
        %swap3A_317 = tpu.memref_squeeze %swap3A_316 : memref<1x64xf32, #tpu.memory_space<vmem>> -> memref<64xf32, #tpu.memory_space<vmem>>
        %swap3A_318 = arith.constant 48 : index
        %swap3A_319 = tpu.vector_load %swap3A_317[%swap3A_318] {strides = array<i32>} : memref<64xf32, #tpu.memory_space<vmem>>, vector<16xf32>,
        %swap3A_320 = vector.shape_cast %swap3A_319 : vector<16xf32> to vector<16xf32>
        %swap3A_321 = vector.shape_cast %get3A_127 : vector<16xf32> to vector<16xf32>
        tpu.vector_store %swap3A_317[%swap3A_318], %swap3A_321 {strides = array<i32>} : memref<64xf32, #tpu.memory_space<vmem>>, vector<16xf32>,
      } else {
      }
      %slice3A_215 = vector.extract_strided_slice %get3A_149 {offsets = [10], sizes = [1], strides = [1]} : vector<16xi32> to vector<1xi32>
      %squeeze3A_216 = vector.extract %slice3A_215[0] : i32 from vector<1xi32>
      %eq3A_217 = arith.constant 1 : i32
      %eq3A_218 = arith.cmpi eq, %squeeze3A_216, %eq3A_217 : i32
      %convert_element_type3A_219 = arith.extui %eq3A_218 : i1 to i32
      %cond3A_220 = arith.constant 0 : i32
      %cond3A_221 = arith.cmpi ne, %convert_element_type3A_219, %cond3A_220 : i32
      scf.if %cond3A_221 {
        %mul3A_257 = arith.constant 16 : i32
        %mul3A_258 = arith.muli %scan3A_144, %mul3A_257 : i32
        %add3A_259 = arith.constant 10 : i32
        %add3A_260 = arith.addi %mul3A_258, %add3A_259 : i32
        %jit3A = arith.constant 128 : i32
        %div3A = arith.divsi %add3A_260, %jit3A : i32
        %sign3A = arith.constant 0 : i32
        %sign3A_261 = arith.cmpi sgt, %add3A_260, %sign3A : i32
        %sign3A_262 = arith.extui %sign3A_261 : i1 to i32
        %sign3A_263 = arith.constant 0 : i32
        %sign3A_264 = arith.cmpi slt, %add3A_260, %sign3A_263 : i32
        %sign3A_265 = arith.extui %sign3A_264 : i1 to i32
        %sign3A_266 = arith.subi %sign3A_262, %sign3A_265 : i32
        %sign3A_267 = arith.constant 0 : i32
        %sign3A_268 = arith.cmpi sgt, %jit3A, %sign3A_267 : i32
        %sign3A_269 = arith.extui %sign3A_268 : i1 to i32
        %sign3A_270 = arith.constant 0 : i32
        %sign3A_271 = arith.cmpi slt, %jit3A, %sign3A_270 : i32
        %sign3A_272 = arith.extui %sign3A_271 : i1 to i32
        %sign3A_273 = arith.subi %sign3A_269, %sign3A_272 : i32
        %ne3A = arith.cmpi ne, %sign3A_266, %sign3A_273 : i32
        %rem3A = arith.remsi %add3A_260, %jit3A : i32
        %ne3A_274 = arith.constant 0 : i32
        %ne3A_275 = arith.cmpi ne, %rem3A, %ne3A_274 : i32
        %and3A = arith.andi %ne3A, %ne3A_275 : i1
        %sub3A = arith.constant 1 : i32
        %sub3A_276 = arith.subi %div3A, %sub3A : i32
        %select_n3A = arith.select %and3A, %sub3A_276, %div3A : i32
        %rem3A_277 = arith.constant 128 : i32
        %rem3A_278 = arith.remsi %add3A_260, %rem3A_277 : i32
        %swap3A = arith.constant 0 : i32
        %swap3A_279 = arith.constant 0 : i32
        %swap3A_280 = tpu.memref_slice %arg9[%select_n3A, %swap3A, %swap3A_279] : memref<4x128x64xf32, #tpu.memory_space<vmem>> -> memref<1x128x64xf32, #tpu.memory_space<vmem>>
        %swap3A_281 = tpu.memref_squeeze %swap3A_280 : memref<1x128x64xf32, #tpu.memory_space<vmem>> -> memref<128x64xf32, #tpu.memory_space<vmem>>
        %swap3A_282 = arith.constant 0 : i32
        %swap3A_283 = tpu.memref_slice %swap3A_281[%rem3A_278, %swap3A_282] : memref<128x64xf32, #tpu.memory_space<vmem>> -> memref<1x64xf32, #tpu.memory_space<vmem>>
        %swap3A_284 = tpu.memref_squeeze %swap3A_283 : memref<1x64xf32, #tpu.memory_space<vmem>> -> memref<64xf32, #tpu.memory_space<vmem>>
        %swap3A_285 = arith.constant 0 : index
        %swap3A_286 = tpu.vector_load %swap3A_284[%swap3A_285] {strides = array<i32>} : memref<64xf32, #tpu.memory_space<vmem>>, vector<16xf32>,
        %swap3A_287 = vector.shape_cast %swap3A_286 : vector<16xf32> to vector<16xf32>
        %swap3A_288 = vector.shape_cast %get3A_112 : vector<16xf32> to vector<16xf32>
        tpu.vector_store %swap3A_284[%swap3A_285], %swap3A_288 {strides = array<i32>} : memref<64xf32, #tpu.memory_space<vmem>>, vector<16xf32>,
        %swap3A_289 = arith.constant 0 : i32
        %swap3A_290 = arith.constant 0 : i32
        %swap3A_291 = tpu.memref_slice %arg9[%select_n3A, %swap3A_289, %swap3A_290] : memref<4x128x64xf32, #tpu.memory_space<vmem>> -> memref<1x128x64xf32, #tpu.memory_space<vmem>>
        %swap3A_292 = tpu.memref_squeeze %swap3A_291 : memref<1x128x64xf32, #tpu.memory_space<vmem>> -> memref<128x64xf32, #tpu.memory_space<vmem>>
        %swap3A_293 = arith.constant 0 : i32
        %swap3A_294 = tpu.memref_slice %swap3A_292[%rem3A_278, %swap3A_293] : memref<128x64xf32, #tpu.memory_space<vmem>> -> memref<1x64xf32, #tpu.memory_space<vmem>>
        %swap3A_295 = tpu.memref_squeeze %swap3A_294 : memref<1x64xf32, #tpu.memory_space<vmem>> -> memref<64xf32, #tpu.memory_space<vmem>>
        %swap3A_296 = arith.constant 16 : index
        %swap3A_297 = tpu.vector_load %swap3A_295[%swap3A_296] {strides = array<i32>} : memref<64xf32, #tpu.memory_space<vmem>>, vector<16xf32>,
        %swap3A_298 = vector.shape_cast %swap3A_297 : vector<16xf32> to vector<16xf32>
        %swap3A_299 = vector.shape_cast %get3A_117 : vector<16xf32> to vector<16xf32>
        tpu.vector_store %swap3A_295[%swap3A_296], %swap3A_299 {strides = array<i32>} : memref<64xf32, #tpu.memory_space<vmem>>, vector<16xf32>,
        %swap3A_300 = arith.constant 0 : i32
        %swap3A_301 = arith.constant 0 : i32
        %swap3A_302 = tpu.memref_slice %arg9[%select_n3A, %swap3A_300, %swap3A_301] : memref<4x128x64xf32, #tpu.memory_space<vmem>> -> memref<1x128x64xf32, #tpu.memory_space<vmem>>
        %swap3A_303 = tpu.memref_squeeze %swap3A_302 : memref<1x128x64xf32, #tpu.memory_space<vmem>> -> memref<128x64xf32, #tpu.memory_space<vmem>>
        %swap3A_304 = arith.constant 0 : i32
        %swap3A_305 = tpu.memref_slice %swap3A_303[%rem3A_278, %swap3A_304] : memref<128x64xf32, #tpu.memory_space<vmem>> -> memref<1x64xf32, #tpu.memory_space<vmem>>
        %swap3A_306 = tpu.memref_squeeze %swap3A_305 : memref<1x64xf32, #tpu.memory_space<vmem>> -> memref<64xf32, #tpu.memory_space<vmem>>
        %swap3A_307 = arith.constant 32 : index
        %swap3A_308 = tpu.vector_load %swap3A_306[%swap3A_307] {strides = array<i32>} : memref<64xf32, #tpu.memory_space<vmem>>, vector<16xf32>,
        %swap3A_309 = vector.shape_cast %swap3A_308 : vector<16xf32> to vector<16xf32>
        %swap3A_310 = vector.shape_cast %get3A_122 : vector<16xf32> to vector<16xf32>
        tpu.vector_store %swap3A_306[%swap3A_307], %swap3A_310 {strides = array<i32>} : memref<64xf32, #tpu.memory_space<vmem>>, vector<16xf32>,
        %swap3A_311 = arith.constant 0 : i32
        %swap3A_312 = arith.constant 0 : i32
        %swap3A_313 = tpu.memref_slice %arg9[%select_n3A, %swap3A_311, %swap3A_312] : memref<4x128x64xf32, #tpu.memory_space<vmem>> -> memref<1x128x64xf32, #tpu.memory_space<vmem>>
        %swap3A_314 = tpu.memref_squeeze %swap3A_313 : memref<1x128x64xf32, #tpu.memory_space<vmem>> -> memref<128x64xf32, #tpu.memory_space<vmem>>
        %swap3A_315 = arith.constant 0 : i32
        %swap3A_316 = tpu.memref_slice %swap3A_314[%rem3A_278, %swap3A_315] : memref<128x64xf32, #tpu.memory_space<vmem>> -> memref<1x64xf32, #tpu.memory_space<vmem>>
        %swap3A_317 = tpu.memref_squeeze %swap3A_316 : memref<1x64xf32, #tpu.memory_space<vmem>> -> memref<64xf32, #tpu.memory_space<vmem>>
        %swap3A_318 = arith.constant 48 : index
        %swap3A_319 = tpu.vector_load %swap3A_317[%swap3A_318] {strides = array<i32>} : memref<64xf32, #tpu.memory_space<vmem>>, vector<16xf32>,
        %swap3A_320 = vector.shape_cast %swap3A_319 : vector<16xf32> to vector<16xf32>
        %swap3A_321 = vector.shape_cast %get3A_127 : vector<16xf32> to vector<16xf32>
        tpu.vector_store %swap3A_317[%swap3A_318], %swap3A_321 {strides = array<i32>} : memref<64xf32, #tpu.memory_space<vmem>>, vector<16xf32>,
      } else {
      }
      %slice3A_222 = vector.extract_strided_slice %get3A_149 {offsets = [11], sizes = [1], strides = [1]} : vector<16xi32> to vector<1xi32>
      %squeeze3A_223 = vector.extract %slice3A_222[0] : i32 from vector<1xi32>
      %eq3A_224 = arith.constant 1 : i32
      %eq3A_225 = arith.cmpi eq, %squeeze3A_223, %eq3A_224 : i32
      %convert_element_type3A_226 = arith.extui %eq3A_225 : i1 to i32
      %cond3A_227 = arith.constant 0 : i32
      %cond3A_228 = arith.cmpi ne, %convert_element_type3A_226, %cond3A_227 : i32
      scf.if %cond3A_228 {
        %mul3A_257 = arith.constant 16 : i32
        %mul3A_258 = arith.muli %scan3A_144, %mul3A_257 : i32
        %add3A_259 = arith.constant 11 : i32
        %add3A_260 = arith.addi %mul3A_258, %add3A_259 : i32
        %jit3A = arith.constant 128 : i32
        %div3A = arith.divsi %add3A_260, %jit3A : i32
        %sign3A = arith.constant 0 : i32
        %sign3A_261 = arith.cmpi sgt, %add3A_260, %sign3A : i32
        %sign3A_262 = arith.extui %sign3A_261 : i1 to i32
        %sign3A_263 = arith.constant 0 : i32
        %sign3A_264 = arith.cmpi slt, %add3A_260, %sign3A_263 : i32
        %sign3A_265 = arith.extui %sign3A_264 : i1 to i32
        %sign3A_266 = arith.subi %sign3A_262, %sign3A_265 : i32
        %sign3A_267 = arith.constant 0 : i32
        %sign3A_268 = arith.cmpi sgt, %jit3A, %sign3A_267 : i32
        %sign3A_269 = arith.extui %sign3A_268 : i1 to i32
        %sign3A_270 = arith.constant 0 : i32
        %sign3A_271 = arith.cmpi slt, %jit3A, %sign3A_270 : i32
        %sign3A_272 = arith.extui %sign3A_271 : i1 to i32
        %sign3A_273 = arith.subi %sign3A_269, %sign3A_272 : i32
        %ne3A = arith.cmpi ne, %sign3A_266, %sign3A_273 : i32
        %rem3A = arith.remsi %add3A_260, %jit3A : i32
        %ne3A_274 = arith.constant 0 : i32
        %ne3A_275 = arith.cmpi ne, %rem3A, %ne3A_274 : i32
        %and3A = arith.andi %ne3A, %ne3A_275 : i1
        %sub3A = arith.constant 1 : i32
        %sub3A_276 = arith.subi %div3A, %sub3A : i32
        %select_n3A = arith.select %and3A, %sub3A_276, %div3A : i32
        %rem3A_277 = arith.constant 128 : i32
        %rem3A_278 = arith.remsi %add3A_260, %rem3A_277 : i32
        %swap3A = arith.constant 0 : i32
        %swap3A_279 = arith.constant 0 : i32
        %swap3A_280 = tpu.memref_slice %arg9[%select_n3A, %swap3A, %swap3A_279] : memref<4x128x64xf32, #tpu.memory_space<vmem>> -> memref<1x128x64xf32, #tpu.memory_space<vmem>>
        %swap3A_281 = tpu.memref_squeeze %swap3A_280 : memref<1x128x64xf32, #tpu.memory_space<vmem>> -> memref<128x64xf32, #tpu.memory_space<vmem>>
        %swap3A_282 = arith.constant 0 : i32
        %swap3A_283 = tpu.memref_slice %swap3A_281[%rem3A_278, %swap3A_282] : memref<128x64xf32, #tpu.memory_space<vmem>> -> memref<1x64xf32, #tpu.memory_space<vmem>>
        %swap3A_284 = tpu.memref_squeeze %swap3A_283 : memref<1x64xf32, #tpu.memory_space<vmem>> -> memref<64xf32, #tpu.memory_space<vmem>>
        %swap3A_285 = arith.constant 0 : index
        %swap3A_286 = tpu.vector_load %swap3A_284[%swap3A_285] {strides = array<i32>} : memref<64xf32, #tpu.memory_space<vmem>>, vector<16xf32>,
        %swap3A_287 = vector.shape_cast %swap3A_286 : vector<16xf32> to vector<16xf32>
        %swap3A_288 = vector.shape_cast %get3A_112 : vector<16xf32> to vector<16xf32>
        tpu.vector_store %swap3A_284[%swap3A_285], %swap3A_288 {strides = array<i32>} : memref<64xf32, #tpu.memory_space<vmem>>, vector<16xf32>,
        %swap3A_289 = arith.constant 0 : i32
        %swap3A_290 = arith.constant 0 : i32
        %swap3A_291 = tpu.memref_slice %arg9[%select_n3A, %swap3A_289, %swap3A_290] : memref<4x128x64xf32, #tpu.memory_space<vmem>> -> memref<1x128x64xf32, #tpu.memory_space<vmem>>
        %swap3A_292 = tpu.memref_squeeze %swap3A_291 : memref<1x128x64xf32, #tpu.memory_space<vmem>> -> memref<128x64xf32, #tpu.memory_space<vmem>>
        %swap3A_293 = arith.constant 0 : i32
        %swap3A_294 = tpu.memref_slice %swap3A_292[%rem3A_278, %swap3A_293] : memref<128x64xf32, #tpu.memory_space<vmem>> -> memref<1x64xf32, #tpu.memory_space<vmem>>
        %swap3A_295 = tpu.memref_squeeze %swap3A_294 : memref<1x64xf32, #tpu.memory_space<vmem>> -> memref<64xf32, #tpu.memory_space<vmem>>
        %swap3A_296 = arith.constant 16 : index
        %swap3A_297 = tpu.vector_load %swap3A_295[%swap3A_296] {strides = array<i32>} : memref<64xf32, #tpu.memory_space<vmem>>, vector<16xf32>,
        %swap3A_298 = vector.shape_cast %swap3A_297 : vector<16xf32> to vector<16xf32>
        %swap3A_299 = vector.shape_cast %get3A_117 : vector<16xf32> to vector<16xf32>
        tpu.vector_store %swap3A_295[%swap3A_296], %swap3A_299 {strides = array<i32>} : memref<64xf32, #tpu.memory_space<vmem>>, vector<16xf32>,
        %swap3A_300 = arith.constant 0 : i32
        %swap3A_301 = arith.constant 0 : i32
        %swap3A_302 = tpu.memref_slice %arg9[%select_n3A, %swap3A_300, %swap3A_301] : memref<4x128x64xf32, #tpu.memory_space<vmem>> -> memref<1x128x64xf32, #tpu.memory_space<vmem>>
        %swap3A_303 = tpu.memref_squeeze %swap3A_302 : memref<1x128x64xf32, #tpu.memory_space<vmem>> -> memref<128x64xf32, #tpu.memory_space<vmem>>
        %swap3A_304 = arith.constant 0 : i32
        %swap3A_305 = tpu.memref_slice %swap3A_303[%rem3A_278, %swap3A_304] : memref<128x64xf32, #tpu.memory_space<vmem>> -> memref<1x64xf32, #tpu.memory_space<vmem>>
        %swap3A_306 = tpu.memref_squeeze %swap3A_305 : memref<1x64xf32, #tpu.memory_space<vmem>> -> memref<64xf32, #tpu.memory_space<vmem>>
        %swap3A_307 = arith.constant 32 : index
        %swap3A_308 = tpu.vector_load %swap3A_306[%swap3A_307] {strides = array<i32>} : memref<64xf32, #tpu.memory_space<vmem>>, vector<16xf32>,
        %swap3A_309 = vector.shape_cast %swap3A_308 : vector<16xf32> to vector<16xf32>
        %swap3A_310 = vector.shape_cast %get3A_122 : vector<16xf32> to vector<16xf32>
        tpu.vector_store %swap3A_306[%swap3A_307], %swap3A_310 {strides = array<i32>} : memref<64xf32, #tpu.memory_space<vmem>>, vector<16xf32>,
        %swap3A_311 = arith.constant 0 : i32
        %swap3A_312 = arith.constant 0 : i32
        %swap3A_313 = tpu.memref_slice %arg9[%select_n3A, %swap3A_311, %swap3A_312] : memref<4x128x64xf32, #tpu.memory_space<vmem>> -> memref<1x128x64xf32, #tpu.memory_space<vmem>>
        %swap3A_314 = tpu.memref_squeeze %swap3A_313 : memref<1x128x64xf32, #tpu.memory_space<vmem>> -> memref<128x64xf32, #tpu.memory_space<vmem>>
        %swap3A_315 = arith.constant 0 : i32
        %swap3A_316 = tpu.memref_slice %swap3A_314[%rem3A_278, %swap3A_315] : memref<128x64xf32, #tpu.memory_space<vmem>> -> memref<1x64xf32, #tpu.memory_space<vmem>>
        %swap3A_317 = tpu.memref_squeeze %swap3A_316 : memref<1x64xf32, #tpu.memory_space<vmem>> -> memref<64xf32, #tpu.memory_space<vmem>>
        %swap3A_318 = arith.constant 48 : index
        %swap3A_319 = tpu.vector_load %swap3A_317[%swap3A_318] {strides = array<i32>} : memref<64xf32, #tpu.memory_space<vmem>>, vector<16xf32>,
        %swap3A_320 = vector.shape_cast %swap3A_319 : vector<16xf32> to vector<16xf32>
        %swap3A_321 = vector.shape_cast %get3A_127 : vector<16xf32> to vector<16xf32>
        tpu.vector_store %swap3A_317[%swap3A_318], %swap3A_321 {strides = array<i32>} : memref<64xf32, #tpu.memory_space<vmem>>, vector<16xf32>,
      } else {
      }
      %slice3A_229 = vector.extract_strided_slice %get3A_149 {offsets = [12], sizes = [1], strides = [1]} : vector<16xi32> to vector<1xi32>
      %squeeze3A_230 = vector.extract %slice3A_229[0] : i32 from vector<1xi32>
      %eq3A_231 = arith.constant 1 : i32
      %eq3A_232 = arith.cmpi eq, %squeeze3A_230, %eq3A_231 : i32
      %convert_element_type3A_233 = arith.extui %eq3A_232 : i1 to i32
      %cond3A_234 = arith.constant 0 : i32
      %cond3A_235 = arith.cmpi ne, %convert_element_type3A_233, %cond3A_234 : i32
      scf.if %cond3A_235 {
        %mul3A_257 = arith.constant 16 : i32
        %mul3A_258 = arith.muli %scan3A_144, %mul3A_257 : i32
        %add3A_259 = arith.constant 12 : i32
        %add3A_260 = arith.addi %mul3A_258, %add3A_259 : i32
        %jit3A = arith.constant 128 : i32
        %div3A = arith.divsi %add3A_260, %jit3A : i32
        %sign3A = arith.constant 0 : i32
        %sign3A_261 = arith.cmpi sgt, %add3A_260, %sign3A : i32
        %sign3A_262 = arith.extui %sign3A_261 : i1 to i32
        %sign3A_263 = arith.constant 0 : i32
        %sign3A_264 = arith.cmpi slt, %add3A_260, %sign3A_263 : i32
        %sign3A_265 = arith.extui %sign3A_264 : i1 to i32
        %sign3A_266 = arith.subi %sign3A_262, %sign3A_265 : i32
        %sign3A_267 = arith.constant 0 : i32
        %sign3A_268 = arith.cmpi sgt, %jit3A, %sign3A_267 : i32
        %sign3A_269 = arith.extui %sign3A_268 : i1 to i32
        %sign3A_270 = arith.constant 0 : i32
        %sign3A_271 = arith.cmpi slt, %jit3A, %sign3A_270 : i32
        %sign3A_272 = arith.extui %sign3A_271 : i1 to i32
        %sign3A_273 = arith.subi %sign3A_269, %sign3A_272 : i32
        %ne3A = arith.cmpi ne, %sign3A_266, %sign3A_273 : i32
        %rem3A = arith.remsi %add3A_260, %jit3A : i32
        %ne3A_274 = arith.constant 0 : i32
        %ne3A_275 = arith.cmpi ne, %rem3A, %ne3A_274 : i32
        %and3A = arith.andi %ne3A, %ne3A_275 : i1
        %sub3A = arith.constant 1 : i32
        %sub3A_276 = arith.subi %div3A, %sub3A : i32
        %select_n3A = arith.select %and3A, %sub3A_276, %div3A : i32
        %rem3A_277 = arith.constant 128 : i32
        %rem3A_278 = arith.remsi %add3A_260, %rem3A_277 : i32
        %swap3A = arith.constant 0 : i32
        %swap3A_279 = arith.constant 0 : i32
        %swap3A_280 = tpu.memref_slice %arg9[%select_n3A, %swap3A, %swap3A_279] : memref<4x128x64xf32, #tpu.memory_space<vmem>> -> memref<1x128x64xf32, #tpu.memory_space<vmem>>
        %swap3A_281 = tpu.memref_squeeze %swap3A_280 : memref<1x128x64xf32, #tpu.memory_space<vmem>> -> memref<128x64xf32, #tpu.memory_space<vmem>>
        %swap3A_282 = arith.constant 0 : i32
        %swap3A_283 = tpu.memref_slice %swap3A_281[%rem3A_278, %swap3A_282] : memref<128x64xf32, #tpu.memory_space<vmem>> -> memref<1x64xf32, #tpu.memory_space<vmem>>
        %swap3A_284 = tpu.memref_squeeze %swap3A_283 : memref<1x64xf32, #tpu.memory_space<vmem>> -> memref<64xf32, #tpu.memory_space<vmem>>
        %swap3A_285 = arith.constant 0 : index
        %swap3A_286 = tpu.vector_load %swap3A_284[%swap3A_285] {strides = array<i32>} : memref<64xf32, #tpu.memory_space<vmem>>, vector<16xf32>,
        %swap3A_287 = vector.shape_cast %swap3A_286 : vector<16xf32> to vector<16xf32>
        %swap3A_288 = vector.shape_cast %get3A_112 : vector<16xf32> to vector<16xf32>
        tpu.vector_store %swap3A_284[%swap3A_285], %swap3A_288 {strides = array<i32>} : memref<64xf32, #tpu.memory_space<vmem>>, vector<16xf32>,
        %swap3A_289 = arith.constant 0 : i32
        %swap3A_290 = arith.constant 0 : i32
        %swap3A_291 = tpu.memref_slice %arg9[%select_n3A, %swap3A_289, %swap3A_290] : memref<4x128x64xf32, #tpu.memory_space<vmem>> -> memref<1x128x64xf32, #tpu.memory_space<vmem>>
        %swap3A_292 = tpu.memref_squeeze %swap3A_291 : memref<1x128x64xf32, #tpu.memory_space<vmem>> -> memref<128x64xf32, #tpu.memory_space<vmem>>
        %swap3A_293 = arith.constant 0 : i32
        %swap3A_294 = tpu.memref_slice %swap3A_292[%rem3A_278, %swap3A_293] : memref<128x64xf32, #tpu.memory_space<vmem>> -> memref<1x64xf32, #tpu.memory_space<vmem>>
        %swap3A_295 = tpu.memref_squeeze %swap3A_294 : memref<1x64xf32, #tpu.memory_space<vmem>> -> memref<64xf32, #tpu.memory_space<vmem>>
        %swap3A_296 = arith.constant 16 : index
        %swap3A_297 = tpu.vector_load %swap3A_295[%swap3A_296] {strides = array<i32>} : memref<64xf32, #tpu.memory_space<vmem>>, vector<16xf32>,
        %swap3A_298 = vector.shape_cast %swap3A_297 : vector<16xf32> to vector<16xf32>
        %swap3A_299 = vector.shape_cast %get3A_117 : vector<16xf32> to vector<16xf32>
        tpu.vector_store %swap3A_295[%swap3A_296], %swap3A_299 {strides = array<i32>} : memref<64xf32, #tpu.memory_space<vmem>>, vector<16xf32>,
        %swap3A_300 = arith.constant 0 : i32
        %swap3A_301 = arith.constant 0 : i32
        %swap3A_302 = tpu.memref_slice %arg9[%select_n3A, %swap3A_300, %swap3A_301] : memref<4x128x64xf32, #tpu.memory_space<vmem>> -> memref<1x128x64xf32, #tpu.memory_space<vmem>>
        %swap3A_303 = tpu.memref_squeeze %swap3A_302 : memref<1x128x64xf32, #tpu.memory_space<vmem>> -> memref<128x64xf32, #tpu.memory_space<vmem>>
        %swap3A_304 = arith.constant 0 : i32
        %swap3A_305 = tpu.memref_slice %swap3A_303[%rem3A_278, %swap3A_304] : memref<128x64xf32, #tpu.memory_space<vmem>> -> memref<1x64xf32, #tpu.memory_space<vmem>>
        %swap3A_306 = tpu.memref_squeeze %swap3A_305 : memref<1x64xf32, #tpu.memory_space<vmem>> -> memref<64xf32, #tpu.memory_space<vmem>>
        %swap3A_307 = arith.constant 32 : index
        %swap3A_308 = tpu.vector_load %swap3A_306[%swap3A_307] {strides = array<i32>} : memref<64xf32, #tpu.memory_space<vmem>>, vector<16xf32>,
        %swap3A_309 = vector.shape_cast %swap3A_308 : vector<16xf32> to vector<16xf32>
        %swap3A_310 = vector.shape_cast %get3A_122 : vector<16xf32> to vector<16xf32>
        tpu.vector_store %swap3A_306[%swap3A_307], %swap3A_310 {strides = array<i32>} : memref<64xf32, #tpu.memory_space<vmem>>, vector<16xf32>,
        %swap3A_311 = arith.constant 0 : i32
        %swap3A_312 = arith.constant 0 : i32
        %swap3A_313 = tpu.memref_slice %arg9[%select_n3A, %swap3A_311, %swap3A_312] : memref<4x128x64xf32, #tpu.memory_space<vmem>> -> memref<1x128x64xf32, #tpu.memory_space<vmem>>
        %swap3A_314 = tpu.memref_squeeze %swap3A_313 : memref<1x128x64xf32, #tpu.memory_space<vmem>> -> memref<128x64xf32, #tpu.memory_space<vmem>>
        %swap3A_315 = arith.constant 0 : i32
        %swap3A_316 = tpu.memref_slice %swap3A_314[%rem3A_278, %swap3A_315] : memref<128x64xf32, #tpu.memory_space<vmem>> -> memref<1x64xf32, #tpu.memory_space<vmem>>
        %swap3A_317 = tpu.memref_squeeze %swap3A_316 : memref<1x64xf32, #tpu.memory_space<vmem>> -> memref<64xf32, #tpu.memory_space<vmem>>
        %swap3A_318 = arith.constant 48 : index
        %swap3A_319 = tpu.vector_load %swap3A_317[%swap3A_318] {strides = array<i32>} : memref<64xf32, #tpu.memory_space<vmem>>, vector<16xf32>,
        %swap3A_320 = vector.shape_cast %swap3A_319 : vector<16xf32> to vector<16xf32>
        %swap3A_321 = vector.shape_cast %get3A_127 : vector<16xf32> to vector<16xf32>
        tpu.vector_store %swap3A_317[%swap3A_318], %swap3A_321 {strides = array<i32>} : memref<64xf32, #tpu.memory_space<vmem>>, vector<16xf32>,
      } else {
      }
      %slice3A_236 = vector.extract_strided_slice %get3A_149 {offsets = [13], sizes = [1], strides = [1]} : vector<16xi32> to vector<1xi32>
      %squeeze3A_237 = vector.extract %slice3A_236[0] : i32 from vector<1xi32>
      %eq3A_238 = arith.constant 1 : i32
      %eq3A_239 = arith.cmpi eq, %squeeze3A_237, %eq3A_238 : i32
      %convert_element_type3A_240 = arith.extui %eq3A_239 : i1 to i32
      %cond3A_241 = arith.constant 0 : i32
      %cond3A_242 = arith.cmpi ne, %convert_element_type3A_240, %cond3A_241 : i32
      scf.if %cond3A_242 {
        %mul3A_257 = arith.constant 16 : i32
        %mul3A_258 = arith.muli %scan3A_144, %mul3A_257 : i32
        %add3A_259 = arith.constant 13 : i32
        %add3A_260 = arith.addi %mul3A_258, %add3A_259 : i32
        %jit3A = arith.constant 128 : i32
        %div3A = arith.divsi %add3A_260, %jit3A : i32
        %sign3A = arith.constant 0 : i32
        %sign3A_261 = arith.cmpi sgt, %add3A_260, %sign3A : i32
        %sign3A_262 = arith.extui %sign3A_261 : i1 to i32
        %sign3A_263 = arith.constant 0 : i32
        %sign3A_264 = arith.cmpi slt, %add3A_260, %sign3A_263 : i32
        %sign3A_265 = arith.extui %sign3A_264 : i1 to i32
        %sign3A_266 = arith.subi %sign3A_262, %sign3A_265 : i32
        %sign3A_267 = arith.constant 0 : i32
        %sign3A_268 = arith.cmpi sgt, %jit3A, %sign3A_267 : i32
        %sign3A_269 = arith.extui %sign3A_268 : i1 to i32
        %sign3A_270 = arith.constant 0 : i32
        %sign3A_271 = arith.cmpi slt, %jit3A, %sign3A_270 : i32
        %sign3A_272 = arith.extui %sign3A_271 : i1 to i32
        %sign3A_273 = arith.subi %sign3A_269, %sign3A_272 : i32
        %ne3A = arith.cmpi ne, %sign3A_266, %sign3A_273 : i32
        %rem3A = arith.remsi %add3A_260, %jit3A : i32
        %ne3A_274 = arith.constant 0 : i32
        %ne3A_275 = arith.cmpi ne, %rem3A, %ne3A_274 : i32
        %and3A = arith.andi %ne3A, %ne3A_275 : i1
        %sub3A = arith.constant 1 : i32
        %sub3A_276 = arith.subi %div3A, %sub3A : i32
        %select_n3A = arith.select %and3A, %sub3A_276, %div3A : i32
        %rem3A_277 = arith.constant 128 : i32
        %rem3A_278 = arith.remsi %add3A_260, %rem3A_277 : i32
        %swap3A = arith.constant 0 : i32
        %swap3A_279 = arith.constant 0 : i32
        %swap3A_280 = tpu.memref_slice %arg9[%select_n3A, %swap3A, %swap3A_279] : memref<4x128x64xf32, #tpu.memory_space<vmem>> -> memref<1x128x64xf32, #tpu.memory_space<vmem>>
        %swap3A_281 = tpu.memref_squeeze %swap3A_280 : memref<1x128x64xf32, #tpu.memory_space<vmem>> -> memref<128x64xf32, #tpu.memory_space<vmem>>
        %swap3A_282 = arith.constant 0 : i32
        %swap3A_283 = tpu.memref_slice %swap3A_281[%rem3A_278, %swap3A_282] : memref<128x64xf32, #tpu.memory_space<vmem>> -> memref<1x64xf32, #tpu.memory_space<vmem>>
        %swap3A_284 = tpu.memref_squeeze %swap3A_283 : memref<1x64xf32, #tpu.memory_space<vmem>> -> memref<64xf32, #tpu.memory_space<vmem>>
        %swap3A_285 = arith.constant 0 : index
        %swap3A_286 = tpu.vector_load %swap3A_284[%swap3A_285] {strides = array<i32>} : memref<64xf32, #tpu.memory_space<vmem>>, vector<16xf32>,
        %swap3A_287 = vector.shape_cast %swap3A_286 : vector<16xf32> to vector<16xf32>
        %swap3A_288 = vector.shape_cast %get3A_112 : vector<16xf32> to vector<16xf32>
        tpu.vector_store %swap3A_284[%swap3A_285], %swap3A_288 {strides = array<i32>} : memref<64xf32, #tpu.memory_space<vmem>>, vector<16xf32>,
        %swap3A_289 = arith.constant 0 : i32
        %swap3A_290 = arith.constant 0 : i32
        %swap3A_291 = tpu.memref_slice %arg9[%select_n3A, %swap3A_289, %swap3A_290] : memref<4x128x64xf32, #tpu.memory_space<vmem>> -> memref<1x128x64xf32, #tpu.memory_space<vmem>>
        %swap3A_292 = tpu.memref_squeeze %swap3A_291 : memref<1x128x64xf32, #tpu.memory_space<vmem>> -> memref<128x64xf32, #tpu.memory_space<vmem>>
        %swap3A_293 = arith.constant 0 : i32
        %swap3A_294 = tpu.memref_slice %swap3A_292[%rem3A_278, %swap3A_293] : memref<128x64xf32, #tpu.memory_space<vmem>> -> memref<1x64xf32, #tpu.memory_space<vmem>>
        %swap3A_295 = tpu.memref_squeeze %swap3A_294 : memref<1x64xf32, #tpu.memory_space<vmem>> -> memref<64xf32, #tpu.memory_space<vmem>>
        %swap3A_296 = arith.constant 16 : index
        %swap3A_297 = tpu.vector_load %swap3A_295[%swap3A_296] {strides = array<i32>} : memref<64xf32, #tpu.memory_space<vmem>>, vector<16xf32>,
        %swap3A_298 = vector.shape_cast %swap3A_297 : vector<16xf32> to vector<16xf32>
        %swap3A_299 = vector.shape_cast %get3A_117 : vector<16xf32> to vector<16xf32>
        tpu.vector_store %swap3A_295[%swap3A_296], %swap3A_299 {strides = array<i32>} : memref<64xf32, #tpu.memory_space<vmem>>, vector<16xf32>,
        %swap3A_300 = arith.constant 0 : i32
        %swap3A_301 = arith.constant 0 : i32
        %swap3A_302 = tpu.memref_slice %arg9[%select_n3A, %swap3A_300, %swap3A_301] : memref<4x128x64xf32, #tpu.memory_space<vmem>> -> memref<1x128x64xf32, #tpu.memory_space<vmem>>
        %swap3A_303 = tpu.memref_squeeze %swap3A_302 : memref<1x128x64xf32, #tpu.memory_space<vmem>> -> memref<128x64xf32, #tpu.memory_space<vmem>>
        %swap3A_304 = arith.constant 0 : i32
        %swap3A_305 = tpu.memref_slice %swap3A_303[%rem3A_278, %swap3A_304] : memref<128x64xf32, #tpu.memory_space<vmem>> -> memref<1x64xf32, #tpu.memory_space<vmem>>
        %swap3A_306 = tpu.memref_squeeze %swap3A_305 : memref<1x64xf32, #tpu.memory_space<vmem>> -> memref<64xf32, #tpu.memory_space<vmem>>
        %swap3A_307 = arith.constant 32 : index
        %swap3A_308 = tpu.vector_load %swap3A_306[%swap3A_307] {strides = array<i32>} : memref<64xf32, #tpu.memory_space<vmem>>, vector<16xf32>,
        %swap3A_309 = vector.shape_cast %swap3A_308 : vector<16xf32> to vector<16xf32>
        %swap3A_310 = vector.shape_cast %get3A_122 : vector<16xf32> to vector<16xf32>
        tpu.vector_store %swap3A_306[%swap3A_307], %swap3A_310 {strides = array<i32>} : memref<64xf32, #tpu.memory_space<vmem>>, vector<16xf32>,
        %swap3A_311 = arith.constant 0 : i32
        %swap3A_312 = arith.constant 0 : i32
        %swap3A_313 = tpu.memref_slice %arg9[%select_n3A, %swap3A_311, %swap3A_312] : memref<4x128x64xf32, #tpu.memory_space<vmem>> -> memref<1x128x64xf32, #tpu.memory_space<vmem>>
        %swap3A_314 = tpu.memref_squeeze %swap3A_313 : memref<1x128x64xf32, #tpu.memory_space<vmem>> -> memref<128x64xf32, #tpu.memory_space<vmem>>
        %swap3A_315 = arith.constant 0 : i32
        %swap3A_316 = tpu.memref_slice %swap3A_314[%rem3A_278, %swap3A_315] : memref<128x64xf32, #tpu.memory_space<vmem>> -> memref<1x64xf32, #tpu.memory_space<vmem>>
        %swap3A_317 = tpu.memref_squeeze %swap3A_316 : memref<1x64xf32, #tpu.memory_space<vmem>> -> memref<64xf32, #tpu.memory_space<vmem>>
        %swap3A_318 = arith.constant 48 : index
        %swap3A_319 = tpu.vector_load %swap3A_317[%swap3A_318] {strides = array<i32>} : memref<64xf32, #tpu.memory_space<vmem>>, vector<16xf32>,
        %swap3A_320 = vector.shape_cast %swap3A_319 : vector<16xf32> to vector<16xf32>
        %swap3A_321 = vector.shape_cast %get3A_127 : vector<16xf32> to vector<16xf32>
        tpu.vector_store %swap3A_317[%swap3A_318], %swap3A_321 {strides = array<i32>} : memref<64xf32, #tpu.memory_space<vmem>>, vector<16xf32>,
      } else {
      }
      %slice3A_243 = vector.extract_strided_slice %get3A_149 {offsets = [14], sizes = [1], strides = [1]} : vector<16xi32> to vector<1xi32>
      %squeeze3A_244 = vector.extract %slice3A_243[0] : i32 from vector<1xi32>
      %eq3A_245 = arith.constant 1 : i32
      %eq3A_246 = arith.cmpi eq, %squeeze3A_244, %eq3A_245 : i32
      %convert_element_type3A_247 = arith.extui %eq3A_246 : i1 to i32
      %cond3A_248 = arith.constant 0 : i32
      %cond3A_249 = arith.cmpi ne, %convert_element_type3A_247, %cond3A_248 : i32
      scf.if %cond3A_249 {
        %mul3A_257 = arith.constant 16 : i32
        %mul3A_258 = arith.muli %scan3A_144, %mul3A_257 : i32
        %add3A_259 = arith.constant 14 : i32
        %add3A_260 = arith.addi %mul3A_258, %add3A_259 : i32
        %jit3A = arith.constant 128 : i32
        %div3A = arith.divsi %add3A_260, %jit3A : i32
        %sign3A = arith.constant 0 : i32
        %sign3A_261 = arith.cmpi sgt, %add3A_260, %sign3A : i32
        %sign3A_262 = arith.extui %sign3A_261 : i1 to i32
        %sign3A_263 = arith.constant 0 : i32
        %sign3A_264 = arith.cmpi slt, %add3A_260, %sign3A_263 : i32
        %sign3A_265 = arith.extui %sign3A_264 : i1 to i32
        %sign3A_266 = arith.subi %sign3A_262, %sign3A_265 : i32
        %sign3A_267 = arith.constant 0 : i32
        %sign3A_268 = arith.cmpi sgt, %jit3A, %sign3A_267 : i32
        %sign3A_269 = arith.extui %sign3A_268 : i1 to i32
        %sign3A_270 = arith.constant 0 : i32
        %sign3A_271 = arith.cmpi slt, %jit3A, %sign3A_270 : i32
        %sign3A_272 = arith.extui %sign3A_271 : i1 to i32
        %sign3A_273 = arith.subi %sign3A_269, %sign3A_272 : i32
        %ne3A = arith.cmpi ne, %sign3A_266, %sign3A_273 : i32
        %rem3A = arith.remsi %add3A_260, %jit3A : i32
        %ne3A_274 = arith.constant 0 : i32
        %ne3A_275 = arith.cmpi ne, %rem3A, %ne3A_274 : i32
        %and3A = arith.andi %ne3A, %ne3A_275 : i1
        %sub3A = arith.constant 1 : i32
        %sub3A_276 = arith.subi %div3A, %sub3A : i32
        %select_n3A = arith.select %and3A, %sub3A_276, %div3A : i32
        %rem3A_277 = arith.constant 128 : i32
        %rem3A_278 = arith.remsi %add3A_260, %rem3A_277 : i32
        %swap3A = arith.constant 0 : i32
        %swap3A_279 = arith.constant 0 : i32
        %swap3A_280 = tpu.memref_slice %arg9[%select_n3A, %swap3A, %swap3A_279] : memref<4x128x64xf32, #tpu.memory_space<vmem>> -> memref<1x128x64xf32, #tpu.memory_space<vmem>>
        %swap3A_281 = tpu.memref_squeeze %swap3A_280 : memref<1x128x64xf32, #tpu.memory_space<vmem>> -> memref<128x64xf32, #tpu.memory_space<vmem>>
        %swap3A_282 = arith.constant 0 : i32
        %swap3A_283 = tpu.memref_slice %swap3A_281[%rem3A_278, %swap3A_282] : memref<128x64xf32, #tpu.memory_space<vmem>> -> memref<1x64xf32, #tpu.memory_space<vmem>>
        %swap3A_284 = tpu.memref_squeeze %swap3A_283 : memref<1x64xf32, #tpu.memory_space<vmem>> -> memref<64xf32, #tpu.memory_space<vmem>>
        %swap3A_285 = arith.constant 0 : index
        %swap3A_286 = tpu.vector_load %swap3A_284[%swap3A_285] {strides = array<i32>} : memref<64xf32, #tpu.memory_space<vmem>>, vector<16xf32>,
        %swap3A_287 = vector.shape_cast %swap3A_286 : vector<16xf32> to vector<16xf32>
        %swap3A_288 = vector.shape_cast %get3A_112 : vector<16xf32> to vector<16xf32>
        tpu.vector_store %swap3A_284[%swap3A_285], %swap3A_288 {strides = array<i32>} : memref<64xf32, #tpu.memory_space<vmem>>, vector<16xf32>,
        %swap3A_289 = arith.constant 0 : i32
        %swap3A_290 = arith.constant 0 : i32
        %swap3A_291 = tpu.memref_slice %arg9[%select_n3A, %swap3A_289, %swap3A_290] : memref<4x128x64xf32, #tpu.memory_space<vmem>> -> memref<1x128x64xf32, #tpu.memory_space<vmem>>
        %swap3A_292 = tpu.memref_squeeze %swap3A_291 : memref<1x128x64xf32, #tpu.memory_space<vmem>> -> memref<128x64xf32, #tpu.memory_space<vmem>>
        %swap3A_293 = arith.constant 0 : i32
        %swap3A_294 = tpu.memref_slice %swap3A_292[%rem3A_278, %swap3A_293] : memref<128x64xf32, #tpu.memory_space<vmem>> -> memref<1x64xf32, #tpu.memory_space<vmem>>
        %swap3A_295 = tpu.memref_squeeze %swap3A_294 : memref<1x64xf32, #tpu.memory_space<vmem>> -> memref<64xf32, #tpu.memory_space<vmem>>
        %swap3A_296 = arith.constant 16 : index
        %swap3A_297 = tpu.vector_load %swap3A_295[%swap3A_296] {strides = array<i32>} : memref<64xf32, #tpu.memory_space<vmem>>, vector<16xf32>,
        %swap3A_298 = vector.shape_cast %swap3A_297 : vector<16xf32> to vector<16xf32>
        %swap3A_299 = vector.shape_cast %get3A_117 : vector<16xf32> to vector<16xf32>
        tpu.vector_store %swap3A_295[%swap3A_296], %swap3A_299 {strides = array<i32>} : memref<64xf32, #tpu.memory_space<vmem>>, vector<16xf32>,
        %swap3A_300 = arith.constant 0 : i32
        %swap3A_301 = arith.constant 0 : i32
        %swap3A_302 = tpu.memref_slice %arg9[%select_n3A, %swap3A_300, %swap3A_301] : memref<4x128x64xf32, #tpu.memory_space<vmem>> -> memref<1x128x64xf32, #tpu.memory_space<vmem>>
        %swap3A_303 = tpu.memref_squeeze %swap3A_302 : memref<1x128x64xf32, #tpu.memory_space<vmem>> -> memref<128x64xf32, #tpu.memory_space<vmem>>
        %swap3A_304 = arith.constant 0 : i32
        %swap3A_305 = tpu.memref_slice %swap3A_303[%rem3A_278, %swap3A_304] : memref<128x64xf32, #tpu.memory_space<vmem>> -> memref<1x64xf32, #tpu.memory_space<vmem>>
        %swap3A_306 = tpu.memref_squeeze %swap3A_305 : memref<1x64xf32, #tpu.memory_space<vmem>> -> memref<64xf32, #tpu.memory_space<vmem>>
        %swap3A_307 = arith.constant 32 : index
        %swap3A_308 = tpu.vector_load %swap3A_306[%swap3A_307] {strides = array<i32>} : memref<64xf32, #tpu.memory_space<vmem>>, vector<16xf32>,
        %swap3A_309 = vector.shape_cast %swap3A_308 : vector<16xf32> to vector<16xf32>
        %swap3A_310 = vector.shape_cast %get3A_122 : vector<16xf32> to vector<16xf32>
        tpu.vector_store %swap3A_306[%swap3A_307], %swap3A_310 {strides = array<i32>} : memref<64xf32, #tpu.memory_space<vmem>>, vector<16xf32>,
        %swap3A_311 = arith.constant 0 : i32
        %swap3A_312 = arith.constant 0 : i32
        %swap3A_313 = tpu.memref_slice %arg9[%select_n3A, %swap3A_311, %swap3A_312] : memref<4x128x64xf32, #tpu.memory_space<vmem>> -> memref<1x128x64xf32, #tpu.memory_space<vmem>>
        %swap3A_314 = tpu.memref_squeeze %swap3A_313 : memref<1x128x64xf32, #tpu.memory_space<vmem>> -> memref<128x64xf32, #tpu.memory_space<vmem>>
        %swap3A_315 = arith.constant 0 : i32
        %swap3A_316 = tpu.memref_slice %swap3A_314[%rem3A_278, %swap3A_315] : memref<128x64xf32, #tpu.memory_space<vmem>> -> memref<1x64xf32, #tpu.memory_space<vmem>>
        %swap3A_317 = tpu.memref_squeeze %swap3A_316 : memref<1x64xf32, #tpu.memory_space<vmem>> -> memref<64xf32, #tpu.memory_space<vmem>>
        %swap3A_318 = arith.constant 48 : index
        %swap3A_319 = tpu.vector_load %swap3A_317[%swap3A_318] {strides = array<i32>} : memref<64xf32, #tpu.memory_space<vmem>>, vector<16xf32>,
        %swap3A_320 = vector.shape_cast %swap3A_319 : vector<16xf32> to vector<16xf32>
        %swap3A_321 = vector.shape_cast %get3A_127 : vector<16xf32> to vector<16xf32>
        tpu.vector_store %swap3A_317[%swap3A_318], %swap3A_321 {strides = array<i32>} : memref<64xf32, #tpu.memory_space<vmem>>, vector<16xf32>,
      } else {
      }
      %slice3A_250 = vector.extract_strided_slice %get3A_149 {offsets = [15], sizes = [1], strides = [1]} : vector<16xi32> to vector<1xi32>
      %squeeze3A_251 = vector.extract %slice3A_250[0] : i32 from vector<1xi32>
      %eq3A_252 = arith.constant 1 : i32
      %eq3A_253 = arith.cmpi eq, %squeeze3A_251, %eq3A_252 : i32
      %convert_element_type3A_254 = arith.extui %eq3A_253 : i1 to i32
      %cond3A_255 = arith.constant 0 : i32
      %cond3A_256 = arith.cmpi ne, %convert_element_type3A_254, %cond3A_255 : i32
      scf.if %cond3A_256 {
        %mul3A_257 = arith.constant 16 : i32
        %mul3A_258 = arith.muli %scan3A_144, %mul3A_257 : i32
        %add3A_259 = arith.constant 15 : i32
        %add3A_260 = arith.addi %mul3A_258, %add3A_259 : i32
        %jit3A = arith.constant 128 : i32
        %div3A = arith.divsi %add3A_260, %jit3A : i32
        %sign3A = arith.constant 0 : i32
        %sign3A_261 = arith.cmpi sgt, %add3A_260, %sign3A : i32
        %sign3A_262 = arith.extui %sign3A_261 : i1 to i32
        %sign3A_263 = arith.constant 0 : i32
        %sign3A_264 = arith.cmpi slt, %add3A_260, %sign3A_263 : i32
        %sign3A_265 = arith.extui %sign3A_264 : i1 to i32
        %sign3A_266 = arith.subi %sign3A_262, %sign3A_265 : i32
        %sign3A_267 = arith.constant 0 : i32
        %sign3A_268 = arith.cmpi sgt, %jit3A, %sign3A_267 : i32
        %sign3A_269 = arith.extui %sign3A_268 : i1 to i32
        %sign3A_270 = arith.constant 0 : i32
        %sign3A_271 = arith.cmpi slt, %jit3A, %sign3A_270 : i32
        %sign3A_272 = arith.extui %sign3A_271 : i1 to i32
        %sign3A_273 = arith.subi %sign3A_269, %sign3A_272 : i32
        %ne3A = arith.cmpi ne, %sign3A_266, %sign3A_273 : i32
        %rem3A = arith.remsi %add3A_260, %jit3A : i32
        %ne3A_274 = arith.constant 0 : i32
        %ne3A_275 = arith.cmpi ne, %rem3A, %ne3A_274 : i32
        %and3A = arith.andi %ne3A, %ne3A_275 : i1
        %sub3A = arith.constant 1 : i32
        %sub3A_276 = arith.subi %div3A, %sub3A : i32
        %select_n3A = arith.select %and3A, %sub3A_276, %div3A : i32
        %rem3A_277 = arith.constant 128 : i32
        %rem3A_278 = arith.remsi %add3A_260, %rem3A_277 : i32
        %swap3A = arith.constant 0 : i32
        %swap3A_279 = arith.constant 0 : i32
        %swap3A_280 = tpu.memref_slice %arg9[%select_n3A, %swap3A, %swap3A_279] : memref<4x128x64xf32, #tpu.memory_space<vmem>> -> memref<1x128x64xf32, #tpu.memory_space<vmem>>
        %swap3A_281 = tpu.memref_squeeze %swap3A_280 : memref<1x128x64xf32, #tpu.memory_space<vmem>> -> memref<128x64xf32, #tpu.memory_space<vmem>>
        %swap3A_282 = arith.constant 0 : i32
        %swap3A_283 = tpu.memref_slice %swap3A_281[%rem3A_278, %swap3A_282] : memref<128x64xf32, #tpu.memory_space<vmem>> -> memref<1x64xf32, #tpu.memory_space<vmem>>
        %swap3A_284 = tpu.memref_squeeze %swap3A_283 : memref<1x64xf32, #tpu.memory_space<vmem>> -> memref<64xf32, #tpu.memory_space<vmem>>
        %swap3A_285 = arith.constant 0 : index
        %swap3A_286 = tpu.vector_load %swap3A_284[%swap3A_285] {strides = array<i32>} : memref<64xf32, #tpu.memory_space<vmem>>, vector<16xf32>,
        %swap3A_287 = vector.shape_cast %swap3A_286 : vector<16xf32> to vector<16xf32>
        %swap3A_288 = vector.shape_cast %get3A_112 : vector<16xf32> to vector<16xf32>
        tpu.vector_store %swap3A_284[%swap3A_285], %swap3A_288 {strides = array<i32>} : memref<64xf32, #tpu.memory_space<vmem>>, vector<16xf32>,
        %swap3A_289 = arith.constant 0 : i32
        %swap3A_290 = arith.constant 0 : i32
        %swap3A_291 = tpu.memref_slice %arg9[%select_n3A, %swap3A_289, %swap3A_290] : memref<4x128x64xf32, #tpu.memory_space<vmem>> -> memref<1x128x64xf32, #tpu.memory_space<vmem>>
        %swap3A_292 = tpu.memref_squeeze %swap3A_291 : memref<1x128x64xf32, #tpu.memory_space<vmem>> -> memref<128x64xf32, #tpu.memory_space<vmem>>
        %swap3A_293 = arith.constant 0 : i32
        %swap3A_294 = tpu.memref_slice %swap3A_292[%rem3A_278, %swap3A_293] : memref<128x64xf32, #tpu.memory_space<vmem>> -> memref<1x64xf32, #tpu.memory_space<vmem>>
        %swap3A_295 = tpu.memref_squeeze %swap3A_294 : memref<1x64xf32, #tpu.memory_space<vmem>> -> memref<64xf32, #tpu.memory_space<vmem>>
        %swap3A_296 = arith.constant 16 : index
        %swap3A_297 = tpu.vector_load %swap3A_295[%swap3A_296] {strides = array<i32>} : memref<64xf32, #tpu.memory_space<vmem>>, vector<16xf32>,
        %swap3A_298 = vector.shape_cast %swap3A_297 : vector<16xf32> to vector<16xf32>
        %swap3A_299 = vector.shape_cast %get3A_117 : vector<16xf32> to vector<16xf32>
        tpu.vector_store %swap3A_295[%swap3A_296], %swap3A_299 {strides = array<i32>} : memref<64xf32, #tpu.memory_space<vmem>>, vector<16xf32>,
        %swap3A_300 = arith.constant 0 : i32
        %swap3A_301 = arith.constant 0 : i32
        %swap3A_302 = tpu.memref_slice %arg9[%select_n3A, %swap3A_300, %swap3A_301] : memref<4x128x64xf32, #tpu.memory_space<vmem>> -> memref<1x128x64xf32, #tpu.memory_space<vmem>>
        %swap3A_303 = tpu.memref_squeeze %swap3A_302 : memref<1x128x64xf32, #tpu.memory_space<vmem>> -> memref<128x64xf32, #tpu.memory_space<vmem>>
        %swap3A_304 = arith.constant 0 : i32
        %swap3A_305 = tpu.memref_slice %swap3A_303[%rem3A_278, %swap3A_304] : memref<128x64xf32, #tpu.memory_space<vmem>> -> memref<1x64xf32, #tpu.memory_space<vmem>>
        %swap3A_306 = tpu.memref_squeeze %swap3A_305 : memref<1x64xf32, #tpu.memory_space<vmem>> -> memref<64xf32, #tpu.memory_space<vmem>>
        %swap3A_307 = arith.constant 32 : index
        %swap3A_308 = tpu.vector_load %swap3A_306[%swap3A_307] {strides = array<i32>} : memref<64xf32, #tpu.memory_space<vmem>>, vector<16xf32>,
        %swap3A_309 = vector.shape_cast %swap3A_308 : vector<16xf32> to vector<16xf32>
        %swap3A_310 = vector.shape_cast %get3A_122 : vector<16xf32> to vector<16xf32>
        tpu.vector_store %swap3A_306[%swap3A_307], %swap3A_310 {strides = array<i32>} : memref<64xf32, #tpu.memory_space<vmem>>, vector<16xf32>,
        %swap3A_311 = arith.constant 0 : i32
        %swap3A_312 = arith.constant 0 : i32
        %swap3A_313 = tpu.memref_slice %arg9[%select_n3A, %swap3A_311, %swap3A_312] : memref<4x128x64xf32, #tpu.memory_space<vmem>> -> memref<1x128x64xf32, #tpu.memory_space<vmem>>
        %swap3A_314 = tpu.memref_squeeze %swap3A_313 : memref<1x128x64xf32, #tpu.memory_space<vmem>> -> memref<128x64xf32, #tpu.memory_space<vmem>>
        %swap3A_315 = arith.constant 0 : i32
        %swap3A_316 = tpu.memref_slice %swap3A_314[%rem3A_278, %swap3A_315] : memref<128x64xf32, #tpu.memory_space<vmem>> -> memref<1x64xf32, #tpu.memory_space<vmem>>
        %swap3A_317 = tpu.memref_squeeze %swap3A_316 : memref<1x64xf32, #tpu.memory_space<vmem>> -> memref<64xf32, #tpu.memory_space<vmem>>
        %swap3A_318 = arith.constant 48 : index
        %swap3A_319 = tpu.vector_load %swap3A_317[%swap3A_318] {strides = array<i32>} : memref<64xf32, #tpu.memory_space<vmem>>, vector<16xf32>,
        %swap3A_320 = vector.shape_cast %swap3A_319 : vector<16xf32> to vector<16xf32>
        %swap3A_321 = vector.shape_cast %get3A_127 : vector<16xf32> to vector<16xf32>
        tpu.vector_store %swap3A_317[%swap3A_318], %swap3A_321 {strides = array<i32>} : memref<64xf32, #tpu.memory_space<vmem>>, vector<16xf32>,
      } else {
      }
    }
    %scan3A_132 = arith.constant 32 : i32
    %add3A_133 = arith.constant 0 : i32
    %add3A_134 = arith.addi %mul3A_2, %add3A_133 : i32
    %run_scoped3A = arith.constant 0 : i32
    "tpu.region"() ({
      %run_scoped3A_144 = tpu.sem_alloc : memref<!tpu.dma_semaphore, #tpu.memory_space<semaphore_mem>>
      %dma_start3A_145 = arith.constant 0 : i32
      %dma_start3A_146 = arith.constant 0 : i32
      %dma_start3A_147 = tpu.memref_slice %arg9[%run_scoped3A, %dma_start3A_145, %dma_start3A_146] : memref<4x128x64xf32, #tpu.memory_space<vmem>> -> memref<1x128x64xf32, #tpu.memory_space<vmem>>
      %dma_start3A_148 = tpu.memref_squeeze %dma_start3A_147 : memref<1x128x64xf32, #tpu.memory_space<vmem>> -> memref<128x64xf32, #tpu.memory_space<vmem>>
      %dma_start3A_149 = arith.constant 0 : i32
      %dma_start3A_150 = tpu.memref_slice %arg5[%add3A_134, %dma_start3A_149] : memref<16384x64xf32, #tpu.memory_space<hbm>> -> memref<128x64xf32, #tpu.memory_space<hbm>>
      %dma_start3A_151 = arith.constant 0 : i32
      %dma_start3A_152 = tpu.memref_slice %arg5[%add3A_134, %dma_start3A_151] : memref<16384x64xf32, #tpu.memory_space<hbm>> -> memref<128x64xf32, #tpu.memory_space<hbm>>
      %dma_start3A_153 = arith.constant 0 : i32
      %dma_start3A_154 = arith.constant 0 : i32
      %dma_start3A_155 = tpu.memref_slice %arg9[%run_scoped3A, %dma_start3A_153, %dma_start3A_154] : memref<4x128x64xf32, #tpu.memory_space<vmem>> -> memref<1x128x64xf32, #tpu.memory_space<vmem>>
      %dma_start3A_156 = tpu.memref_squeeze %dma_start3A_155 : memref<1x128x64xf32, #tpu.memory_space<vmem>> -> memref<128x64xf32, #tpu.memory_space<vmem>>
      tpu.enqueue_dma source(%dma_start3A_156 : memref<128x64xf32, #tpu.memory_space<vmem>>) target(%dma_start3A_152 : memref<128x64xf32, #tpu.memory_space<hbm>>) target_semaphore(%run_scoped3A_144 : memref<!tpu.dma_semaphore, #tpu.memory_space<semaphore_mem>>)
      %dma_wait3A_157 = arith.constant 0 : i32
      %dma_wait3A_158 = arith.constant 0 : i32
      %dma_wait3A_159 = tpu.memref_slice %arg9[%run_scoped3A, %dma_wait3A_157, %dma_wait3A_158] : memref<4x128x64xf32, #tpu.memory_space<vmem>> -> memref<1x128x64xf32, #tpu.memory_space<vmem>>
      %dma_wait3A_160 = tpu.memref_squeeze %dma_wait3A_159 : memref<1x128x64xf32, #tpu.memory_space<vmem>> -> memref<128x64xf32, #tpu.memory_space<vmem>>
      %dma_wait3A_161 = arith.constant 0 : i32
      %dma_wait3A_162 = tpu.memref_slice %arg5[%add3A_134, %dma_wait3A_161] : memref<16384x64xf32, #tpu.memory_space<hbm>> -> memref<128x64xf32, #tpu.memory_space<hbm>>
      %dma_wait3A_163 = arith.constant 0 : i32
      %dma_wait3A_164 = tpu.memref_slice %arg5[%add3A_134, %dma_wait3A_163] : memref<16384x64xf32, #tpu.memory_space<hbm>> -> memref<128x64xf32, #tpu.memory_space<hbm>>
      %dma_wait3A_165 = arith.constant 0 : i32
      %dma_wait3A_166 = arith.constant 0 : i32
      %dma_wait3A_167 = tpu.memref_slice %arg9[%run_scoped3A, %dma_wait3A_165, %dma_wait3A_166] : memref<4x128x64xf32, #tpu.memory_space<vmem>> -> memref<1x128x64xf32, #tpu.memory_space<vmem>>
      %dma_wait3A_168 = tpu.memref_squeeze %dma_wait3A_167 : memref<1x128x64xf32, #tpu.memory_space<vmem>> -> memref<128x64xf32, #tpu.memory_space<vmem>>
      tpu.wait_dma2 semaphore(%run_scoped3A_144 : memref<!tpu.dma_semaphore, #tpu.memory_space<semaphore_mem>>) src(%dma_wait3A_168 : memref<128x64xf32, #tpu.memory_space<vmem>>) dst(%dma_wait3A_164 : memref<128x64xf32, #tpu.memory_space<hbm>>)
      tpu.yield
    }) : () -> ()
    %add3A_135 = arith.constant 128 : i32
    %add3A_136 = arith.addi %mul3A_2, %add3A_135 : i32
    %run_scoped3A_137 = arith.constant 1 : i32
    "tpu.region"() ({
      %run_scoped3A_144 = tpu.sem_alloc : memref<!tpu.dma_semaphore, #tpu.memory_space<semaphore_mem>>
      %dma_start3A_145 = arith.constant 0 : i32
      %dma_start3A_146 = arith.constant 0 : i32
      %dma_start3A_147 = tpu.memref_slice %arg9[%run_scoped3A_137, %dma_start3A_145, %dma_start3A_146] : memref<4x128x64xf32, #tpu.memory_space<vmem>> -> memref<1x128x64xf32, #tpu.memory_space<vmem>>
      %dma_start3A_148 = tpu.memref_squeeze %dma_start3A_147 : memref<1x128x64xf32, #tpu.memory_space<vmem>> -> memref<128x64xf32, #tpu.memory_space<vmem>>
      %dma_start3A_149 = arith.constant 0 : i32
      %dma_start3A_150 = tpu.memref_slice %arg5[%add3A_136, %dma_start3A_149] : memref<16384x64xf32, #tpu.memory_space<hbm>> -> memref<128x64xf32, #tpu.memory_space<hbm>>
      %dma_start3A_151 = arith.constant 0 : i32
      %dma_start3A_152 = tpu.memref_slice %arg5[%add3A_136, %dma_start3A_151] : memref<16384x64xf32, #tpu.memory_space<hbm>> -> memref<128x64xf32, #tpu.memory_space<hbm>>
      %dma_start3A_153 = arith.constant 0 : i32
      %dma_start3A_154 = arith.constant 0 : i32
      %dma_start3A_155 = tpu.memref_slice %arg9[%run_scoped3A_137, %dma_start3A_153, %dma_start3A_154] : memref<4x128x64xf32, #tpu.memory_space<vmem>> -> memref<1x128x64xf32, #tpu.memory_space<vmem>>
      %dma_start3A_156 = tpu.memref_squeeze %dma_start3A_155 : memref<1x128x64xf32, #tpu.memory_space<vmem>> -> memref<128x64xf32, #tpu.memory_space<vmem>>
      tpu.enqueue_dma source(%dma_start3A_156 : memref<128x64xf32, #tpu.memory_space<vmem>>) target(%dma_start3A_152 : memref<128x64xf32, #tpu.memory_space<hbm>>) target_semaphore(%run_scoped3A_144 : memref<!tpu.dma_semaphore, #tpu.memory_space<semaphore_mem>>)
      %dma_wait3A_157 = arith.constant 0 : i32
      %dma_wait3A_158 = arith.constant 0 : i32
      %dma_wait3A_159 = tpu.memref_slice %arg9[%run_scoped3A_137, %dma_wait3A_157, %dma_wait3A_158] : memref<4x128x64xf32, #tpu.memory_space<vmem>> -> memref<1x128x64xf32, #tpu.memory_space<vmem>>
      %dma_wait3A_160 = tpu.memref_squeeze %dma_wait3A_159 : memref<1x128x64xf32, #tpu.memory_space<vmem>> -> memref<128x64xf32, #tpu.memory_space<vmem>>
      %dma_wait3A_161 = arith.constant 0 : i32
      %dma_wait3A_162 = tpu.memref_slice %arg5[%add3A_136, %dma_wait3A_161] : memref<16384x64xf32, #tpu.memory_space<hbm>> -> memref<128x64xf32, #tpu.memory_space<hbm>>
      %dma_wait3A_163 = arith.constant 0 : i32
      %dma_wait3A_164 = tpu.memref_slice %arg5[%add3A_136, %dma_wait3A_163] : memref<16384x64xf32, #tpu.memory_space<hbm>> -> memref<128x64xf32, #tpu.memory_space<hbm>>
      %dma_wait3A_165 = arith.constant 0 : i32
      %dma_wait3A_166 = arith.constant 0 : i32
      %dma_wait3A_167 = tpu.memref_slice %arg9[%run_scoped3A_137, %dma_wait3A_165, %dma_wait3A_166] : memref<4x128x64xf32, #tpu.memory_space<vmem>> -> memref<1x128x64xf32, #tpu.memory_space<vmem>>
      %dma_wait3A_168 = tpu.memref_squeeze %dma_wait3A_167 : memref<1x128x64xf32, #tpu.memory_space<vmem>> -> memref<128x64xf32, #tpu.memory_space<vmem>>
      tpu.wait_dma2 semaphore(%run_scoped3A_144 : memref<!tpu.dma_semaphore, #tpu.memory_space<semaphore_mem>>) src(%dma_wait3A_168 : memref<128x64xf32, #tpu.memory_space<vmem>>) dst(%dma_wait3A_164 : memref<128x64xf32, #tpu.memory_space<hbm>>)
      tpu.yield
    }) : () -> ()
    %add3A_138 = arith.constant 256 : i32
    %add3A_139 = arith.addi %mul3A_2, %add3A_138 : i32
    %run_scoped3A_140 = arith.constant 2 : i32
    "tpu.region"() ({
      %run_scoped3A_144 = tpu.sem_alloc : memref<!tpu.dma_semaphore, #tpu.memory_space<semaphore_mem>>
      %dma_start3A_145 = arith.constant 0 : i32
      %dma_start3A_146 = arith.constant 0 : i32
      %dma_start3A_147 = tpu.memref_slice %arg9[%run_scoped3A_140, %dma_start3A_145, %dma_start3A_146] : memref<4x128x64xf32, #tpu.memory_space<vmem>> -> memref<1x128x64xf32, #tpu.memory_space<vmem>>
      %dma_start3A_148 = tpu.memref_squeeze %dma_start3A_147 : memref<1x128x64xf32, #tpu.memory_space<vmem>> -> memref<128x64xf32, #tpu.memory_space<vmem>>
      %dma_start3A_149 = arith.constant 0 : i32
      %dma_start3A_150 = tpu.memref_slice %arg5[%add3A_139, %dma_start3A_149] : memref<16384x64xf32, #tpu.memory_space<hbm>> -> memref<128x64xf32, #tpu.memory_space<hbm>>
      %dma_start3A_151 = arith.constant 0 : i32
      %dma_start3A_152 = tpu.memref_slice %arg5[%add3A_139, %dma_start3A_151] : memref<16384x64xf32, #tpu.memory_space<hbm>> -> memref<128x64xf32, #tpu.memory_space<hbm>>
      %dma_start3A_153 = arith.constant 0 : i32
      %dma_start3A_154 = arith.constant 0 : i32
      %dma_start3A_155 = tpu.memref_slice %arg9[%run_scoped3A_140, %dma_start3A_153, %dma_start3A_154] : memref<4x128x64xf32, #tpu.memory_space<vmem>> -> memref<1x128x64xf32, #tpu.memory_space<vmem>>
      %dma_start3A_156 = tpu.memref_squeeze %dma_start3A_155 : memref<1x128x64xf32, #tpu.memory_space<vmem>> -> memref<128x64xf32, #tpu.memory_space<vmem>>
      tpu.enqueue_dma source(%dma_start3A_156 : memref<128x64xf32, #tpu.memory_space<vmem>>) target(%dma_start3A_152 : memref<128x64xf32, #tpu.memory_space<hbm>>) target_semaphore(%run_scoped3A_144 : memref<!tpu.dma_semaphore, #tpu.memory_space<semaphore_mem>>)
      %dma_wait3A_157 = arith.constant 0 : i32
      %dma_wait3A_158 = arith.constant 0 : i32
      %dma_wait3A_159 = tpu.memref_slice %arg9[%run_scoped3A_140, %dma_wait3A_157, %dma_wait3A_158] : memref<4x128x64xf32, #tpu.memory_space<vmem>> -> memref<1x128x64xf32, #tpu.memory_space<vmem>>
      %dma_wait3A_160 = tpu.memref_squeeze %dma_wait3A_159 : memref<1x128x64xf32, #tpu.memory_space<vmem>> -> memref<128x64xf32, #tpu.memory_space<vmem>>
      %dma_wait3A_161 = arith.constant 0 : i32
      %dma_wait3A_162 = tpu.memref_slice %arg5[%add3A_139, %dma_wait3A_161] : memref<16384x64xf32, #tpu.memory_space<hbm>> -> memref<128x64xf32, #tpu.memory_space<hbm>>
      %dma_wait3A_163 = arith.constant 0 : i32
      %dma_wait3A_164 = tpu.memref_slice %arg5[%add3A_139, %dma_wait3A_163] : memref<16384x64xf32, #tpu.memory_space<hbm>> -> memref<128x64xf32, #tpu.memory_space<hbm>>
      %dma_wait3A_165 = arith.constant 0 : i32
      %dma_wait3A_166 = arith.constant 0 : i32
      %dma_wait3A_167 = tpu.memref_slice %arg9[%run_scoped3A_140, %dma_wait3A_165, %dma_wait3A_166] : memref<4x128x64xf32, #tpu.memory_space<vmem>> -> memref<1x128x64xf32, #tpu.memory_space<vmem>>
      %dma_wait3A_168 = tpu.memref_squeeze %dma_wait3A_167 : memref<1x128x64xf32, #tpu.memory_space<vmem>> -> memref<128x64xf32, #tpu.memory_space<vmem>>
      tpu.wait_dma2 semaphore(%run_scoped3A_144 : memref<!tpu.dma_semaphore, #tpu.memory_space<semaphore_mem>>) src(%dma_wait3A_168 : memref<128x64xf32, #tpu.memory_space<vmem>>) dst(%dma_wait3A_164 : memref<128x64xf32, #tpu.memory_space<hbm>>)
      tpu.yield
    }) : () -> ()
    %add3A_141 = arith.constant 384 : i32
    %add3A_142 = arith.addi %mul3A_2, %add3A_141 : i32
    %run_scoped3A_143 = arith.constant 3 : i32
    "tpu.region"() ({
      %run_scoped3A_144 = tpu.sem_alloc : memref<!tpu.dma_semaphore, #tpu.memory_space<semaphore_mem>>
      %dma_start3A_145 = arith.constant 0 : i32
      %dma_start3A_146 = arith.constant 0 : i32
      %dma_start3A_147 = tpu.memref_slice %arg9[%run_scoped3A_143, %dma_start3A_145, %dma_start3A_146] : memref<4x128x64xf32, #tpu.memory_space<vmem>> -> memref<1x128x64xf32, #tpu.memory_space<vmem>>
      %dma_start3A_148 = tpu.memref_squeeze %dma_start3A_147 : memref<1x128x64xf32, #tpu.memory_space<vmem>> -> memref<128x64xf32, #tpu.memory_space<vmem>>
      %dma_start3A_149 = arith.constant 0 : i32
      %dma_start3A_150 = tpu.memref_slice %arg5[%add3A_142, %dma_start3A_149] : memref<16384x64xf32, #tpu.memory_space<hbm>> -> memref<128x64xf32, #tpu.memory_space<hbm>>
      %dma_start3A_151 = arith.constant 0 : i32
      %dma_start3A_152 = tpu.memref_slice %arg5[%add3A_142, %dma_start3A_151] : memref<16384x64xf32, #tpu.memory_space<hbm>> -> memref<128x64xf32, #tpu.memory_space<hbm>>
      %dma_start3A_153 = arith.constant 0 : i32
      %dma_start3A_154 = arith.constant 0 : i32
      %dma_start3A_155 = tpu.memref_slice %arg9[%run_scoped3A_143, %dma_start3A_153, %dma_start3A_154] : memref<4x128x64xf32, #tpu.memory_space<vmem>> -> memref<1x128x64xf32, #tpu.memory_space<vmem>>
      %dma_start3A_156 = tpu.memref_squeeze %dma_start3A_155 : memref<1x128x64xf32, #tpu.memory_space<vmem>> -> memref<128x64xf32, #tpu.memory_space<vmem>>
      tpu.enqueue_dma source(%dma_start3A_156 : memref<128x64xf32, #tpu.memory_space<vmem>>) target(%dma_start3A_152 : memref<128x64xf32, #tpu.memory_space<hbm>>) target_semaphore(%run_scoped3A_144 : memref<!tpu.dma_semaphore, #tpu.memory_space<semaphore_mem>>)
      %dma_wait3A_157 = arith.constant 0 : i32
      %dma_wait3A_158 = arith.constant 0 : i32
      %dma_wait3A_159 = tpu.memref_slice %arg9[%run_scoped3A_143, %dma_wait3A_157, %dma_wait3A_158] : memref<4x128x64xf32, #tpu.memory_space<vmem>> -> memref<1x128x64xf32, #tpu.memory_space<vmem>>
      %dma_wait3A_160 = tpu.memref_squeeze %dma_wait3A_159 : memref<1x128x64xf32, #tpu.memory_space<vmem>> -> memref<128x64xf32, #tpu.memory_space<vmem>>
      %dma_wait3A_161 = arith.constant 0 : i32
      %dma_wait3A_162 = tpu.memref_slice %arg5[%add3A_142, %dma_wait3A_161] : memref<16384x64xf32, #tpu.memory_space<hbm>> -> memref<128x64xf32, #tpu.memory_space<hbm>>
      %dma_wait3A_163 = arith.constant 0 : i32
      %dma_wait3A_164 = tpu.memref_slice %arg5[%add3A_142, %dma_wait3A_163] : memref<16384x64xf32, #tpu.memory_space<hbm>> -> memref<128x64xf32, #tpu.memory_space<hbm>>
      %dma_wait3A_165 = arith.constant 0 : i32
      %dma_wait3A_166 = arith.constant 0 : i32
      %dma_wait3A_167 = tpu.memref_slice %arg9[%run_scoped3A_143, %dma_wait3A_165, %dma_wait3A_166] : memref<4x128x64xf32, #tpu.memory_space<vmem>> -> memref<1x128x64xf32, #tpu.memory_space<vmem>>
      %dma_wait3A_168 = tpu.memref_squeeze %dma_wait3A_167 : memref<1x128x64xf32, #tpu.memory_space<vmem>> -> memref<128x64xf32, #tpu.memory_space<vmem>>
      tpu.wait_dma2 semaphore(%run_scoped3A_144 : memref<!tpu.dma_semaphore, #tpu.memory_space<semaphore_mem>>) src(%dma_wait3A_168 : memref<128x64xf32, #tpu.memory_space<vmem>>) dst(%dma_wait3A_164 : memref<128x64xf32, #tpu.memory_space<hbm>>)
      tpu.yield
    }) : () -> ()
    return
  }
}

</mosaic_0001>

<sc_bundles>
// kernel: _embed.3.cloned.1.call-start
scs
__scs_entry_jumppad:
0x0: {  	(pc) =	sbr.rel $0x88, $3  }
0x1: {  	(tag) =	ssettag $0x0;
	lr =	simm.s32 $0x1  }
0x2: {  	[smem:$0x3F9E] =	sst lr;
	_ =	strace $0xD0000000  }
0x3: {  	_ = 	snop  }
0x4: {  	_ = 	snop  }
0x5: {  	_ = 	snop  }
0x6: {  	_ = 	snop  }
0x7: {  	_ = 	snop  }
__scs_overlays_trampoline_lowered:
0x8: {  	[smem:$0x3FAD] =	sst s0  }
0x9: {  	[smem:$0x3FAE] =	sst s1  }
0xa: {  	[smem:$0x3FAF] =	sst s2  }
0xb: {  	[smem:$0x3FB0] =	sst s3  }
0xc: {  	[smem:$0x3FB1] =	sst s4  }
0xd: {  	[smem:$0x3FB2] =	sst s5  }
0xe: {  	[smem:$0x3FB3] =	sst s6  }
0xf: {  	[smem:$0x3FB4] =	sst s7  }
0x10: {  	[smem:$0x3FB5] =	sst s8  }
0x11: {  	[smem:$0x3FB6] =	sst s9;
	s0 =	simm.s32 @!p0 $0x0  }
0x12: {  	s1 =	sld [smem:$0x3F9C];
	s0 =	simm.s32 @p0 $0x1  }
0x13: {  	[smem:$0x3FB7] =	sst s0;
	s0 =	simm.s32 @!p1 $0x0  }
0x14: {  	s2 =	sld [smem:$0x3F9B];
	s0 =	simm.s32 @p1 $0x1  }
0x15: {  	[smem:$0x3FB8] =	sst s0;
	s0 =	simm.s32 @!p2 $0x0  }
0x16: {  	s3 =	sld [smem:$0x3FDB];
	s0 =	simm.s32 @p2 $0x1  }
0x17: {  	s4 =	simm.s32 $0x1BF5;
	[smem:$0x3FBA] =	sst s0  }
0x18: {  	s0 =	sld [smem:$0x3F9D];
	_ =	swait.ge [sflag:s4], $0x0  }
0x19: {  	s7 =	sld [smem:$0x3F9E]  }
0x1a: {  	s8 =	sadd.s32 $0xFFFFE003, lr  }
0x1b: {  	s9 =	sadd.s32 $0xFFFFFEF7, lr;
	s5 =	simm.s32 $0xFFFFFFFF;
	p2 =	slt.u32 s8, $0xFFFFF086  }
0x1c: {  	p1 =	slt.u32 s9, $0xF7A;
	s5 =	simm.s32 @!p2 $0x0  }
0x1d: {  	s5 =	simm.s32 @p1 $0x1;
	p0 =	seq.s32 s7, s2  }
0x1e: {  	s7 =	smul.u32 @!p0 $0xF7A, s2;
	p2 =	seq.s32 @!p0 s5, $0x0  }
0x1f: {  	s9 =	smul.u32 $0xF7A, s1;
	s8 =	simm.s32 @!p0 $0x1BF5;
	p2 =	por !p2, p0  }
0x20: {  	[sflag:s8] =	ssyncset.s32 @!p0 $0xFFFFF086;
	s6 =	sadd.s32 @!p0 s3, s7;
	s7 =	simm.s32 @!p0 $0x108  }
0x21: {  	s3 =	sadd.s32 s3, s9;
	s6 =	sadd.s32 @!p0 $0x88, s6;
	s7 =	simm.s32 @p2 $0x1082  }
0x22: {  	[simem:s7], [sflag:s8] =	dma.local @!p0 [hbm:s6], $0xF7A  }
0x23: {  	s9 =	sor.u32 $0xD0000000, s2;
	s6 =	simm.s32 $0x108;
	_ =	swait.ge @!p0 [sflag:s8], $0x0  }
0x24: {  	s3 =	sadd.s32 $0x88, s3;
	s6 =	simm.s32 @!p1 $0x1082;
	[sflag:s4] =	ssyncset.s32 $0xFFFFF086  }
0x25: {  	[simem:s6], [sflag:s4] =	dma.local [hbm:s3], $0xF7A  }
0x26: {  	[smem:$0x3F9E] =	sst s1;
	(tag) =	ssettag s2;
	_ =	strace s9  }
0x27: {  	s1 =	sld [smem:$0x3FAE]  }
0x28: {  	s2 =	sld [smem:$0x3FAF]  }
0x29: {  	s4 =	sld [smem:$0x3FB1]  }
0x2a: {  	p0 =	seq.s32 s5, $0x0;
	s5 =	sld [smem:$0x3FB2]  }
0x2b: {  	s6 =	sld [smem:$0x3FB3]  }
0x2c: {  	s7 =	sld [smem:$0x3FB4]  }
0x2d: {  	s3 =	simm.s32 $0x108;
	s8 =	sld [smem:$0x3FB5]  }
0x2e: {  	s3 =	simm.s32 @!p0 $0x1082;
	s9 =	sld [smem:$0x3FB6]  }
0x2f: {  	lr =	sadd.s32 s0, s3;
	s0 =	sld [smem:$0x3FAD]  }
0x30: {  	s3 =	sld [smem:$0x3FB0]  }
0x31: {  	[smem:$0x3FB9] =	sst s10  }
0x32: {  	s10 =	sld [smem:$0x3FB7];
	_ =	sdelay $0x3  }
0x33: {  	p0 =	seq.s32 s10, $0x1;
	s10 =	sld [smem:$0x3FB9];
	_ =	sdelay $0x3  }
0x34: {  	[smem:$0x3FB9] =	sst s10  }
0x35: {  	s10 =	sld [smem:$0x3FB8];
	_ =	sdelay $0x3  }
0x36: {  	p1 =	seq.s32 s10, $0x1;
	s10 =	sld [smem:$0x3FB9];
	_ =	sdelay $0x3  }
0x37: {  	[smem:$0x3FB9] =	sst s10  }
0x38: {  	s10 =	sld [smem:$0x3FBA]  }
0x39: {  	_ = 	snop;
	(pc) =	sbr.ind lr, $3  }
0x3a: {  	_ = 	snop  }
0x3b: {  	_ = 	snop  }
0x3c: {  	p2 =	seq.s32 s10, $0x1;
	s10 =	sld [smem:$0x3FB9]  }
0x3d: {  	_ =	shalt  }
0x3e: {  	_ =	shalt  }
0x3f: {  	_ =	shalt  }
0x40: {  	_ =	shalt  }
0x41: {  	_ =	shalt  }
0x42: {  	_ =	shalt  }
0x43: {  	_ =	shalt  }
0x44: {  	_ =	shalt  }
0x45: {  	_ =	shalt  }
0x46: {  	_ =	shalt  }
0x47: {  	_ =	shalt  }
0x48: {  	_ =	shalt  }
0x49: {  	_ =	shalt  }
0x4a: {  	_ =	shalt  }
0x4b: {  	_ =	shalt  }
0x4c: {  	_ =	shalt  }
0x4d: {  	_ =	shalt  }
0x4e: {  	_ =	shalt  }
0x4f: {  	_ =	shalt  }
0x50: {  	_ =	shalt  }
0x51: {  	_ =	shalt  }
0x52: {  	_ =	shalt  }
0x53: {  	_ =	shalt  }
0x54: {  	_ =	shalt  }
0x55: {  	_ =	shalt  }
0x56: {  	_ =	shalt  }
0x57: {  	_ =	shalt  }
0x58: {  	_ =	shalt  }
0x59: {  	_ =	shalt  }
0x5a: {  	_ =	shalt  }
0x5b: {  	_ =	shalt  }
0x5c: {  	_ =	shalt  }
0x5d: {  	_ =	shalt  }
0x5e: {  	_ =	shalt  }
0x5f: {  	_ =	shalt  }
0x60: {  	_ =	shalt  }
0x61: {  	_ =	shalt  }
0x62: {  	_ =	shalt  }
0x63: {  	_ =	shalt  }
0x64: {  	_ =	shalt  }
0x65: {  	_ =	shalt  }
0x66: {  	_ =	shalt  }
0x67: {  	_ =	shalt  }
0x68: {  	_ =	shalt  }
0x69: {  	_ =	shalt  }
0x6a: {  	_ =	shalt  }
0x6b: {  	_ =	shalt  }
0x6c: {  	_ =	shalt  }
0x6d: {  	_ =	shalt  }
0x6e: {  	_ =	shalt  }
0x6f: {  	_ =	shalt  }
0x70: {  	_ =	shalt  }
0x71: {  	_ =	shalt  }
0x72: {  	_ =	shalt  }
0x73: {  	_ =	shalt  }
0x74: {  	_ =	shalt  }
0x75: {  	_ =	shalt  }
0x76: {  	_ =	shalt  }
0x77: {  	_ =	shalt  }
0x78: {  	_ =	shalt  }
0x79: {  	_ =	shalt  }
0x7a: {  	_ =	shalt  }
0x7b: {  	_ =	shalt  }
0x7c: {  	_ =	shalt  }
0x7d: {  	_ =	shalt  }
0x7e: {  	_ =	shalt  }
0x7f: {  	_ =	shalt  }
0x80: {  	_ =	shalt  }
0x81: {  	_ =	shalt  }
0x82: {  	_ =	shalt  }
0x83: {  	_ =	shalt  }
0x84: {  	_ =	shalt  }
0x85: {  	_ =	shalt  }
0x86: {  	_ =	shalt  }
0x87: {  	_ =	shalt  }
.Lfunc_end0:
.L_simem_size_0:
called_computation_lowered:
.L_overlay_start_0:
0x88: {  	s2 =	sld [smem:$0x3FD9]  }
0x89: {  	s3 =	sld [smem:$0x3FFE];
	_ =	sdelay $0x1  }
0x8a: {  	s1 =	srdreg.scid  }
0x8b: {  	s0 =	sand.u32 $0x1, s1  }
0x8c: {  	s17 =	sshll.u32 s0, $0xA;
	s2 =	sadd.s32 s3, s2  }
0x8d: {  	s2 =	sadd.s32 s2, s17  }
0x8e: {  	[smem:$0x3FC5] =	sst s2  }
0x8f: {  	_ = 	snop  }
0x90: {  	s2 =	sld [smem:$0x3FC9]  }
0x91: {  	s18 =	sld [smem:$0x3FC8]  }
0x92: {  	s4 =	sld [smem:$0x3FD0];
	(tm) =	ssettm $0x1  }
0x93: {  	s5 =	sld [smem:$0x3FFB];
	_ =	sdelay $0x3  }
0x94: {  	_ =	strace s5  }
0x95: {  	s5 =	sld [smem:$0x3FFC];
	_ =	sdelay $0x3  }
0x96: {  	_ =	strace s5  }
0x97: {  	s5 =	sld [smem:$0x3FFD];
	_ =	sdelay $0x3  }
0x98: {  	_ =	strace s5  }
0x99: {  	_ =	strace $0x8FFFFFFF  }
0x9a: {  	s19 =	sld [smem:$0x3FDB];
	_ =	sdelay $0x1  }
0x9b: {  	s6 =	simm.s32 $_scs_section_size  }
0x9c: {  	s7 =	simm.s32 $_size__tile_overlayer_lowered;
	s8 =	simm.s32 $_tile_overlayer_lowered  }
0x9d: {  	s22 =	simm.s32 $0x1BFF;
	s21 =	sshll.u32 s8, $0x1;
	s5 =	sadd.s32 s6, s19  }
0x9e: {  	s9 =	simm.s32 $0x0;
	s20 =	sshll.u32 s7, $0x1;
	s7 =	sadd.s32 s21, s5  }
0x9f: {  	[timem:s9], [sflag:s22] =	dma.local [hbm:s7], s20  }
0xa0: {  	_ =	swait.ge [sflag:s22], s20  }
0xa1: {  	s6 =	ssub.s32 $0x0, s20;
	[sflag:s22] =	ssyncset.done $0x0  }
0xa2: {  	[sflag:s22] =	ssyncadd.s32 s6;
	_ =	sdelay $0x1  }
0xa3: {  	s23 =	simm.s32 $0x1B8B  }
0xa4: {  	_ =	swait.ge [sflag:s23], $0x1  }
0xa5: {  	[sflag:s23] =	ssyncset.done $0x0  }
0xa6: {  	s25 =	simm.s32 $0x1B8E;
	s24 =	sld [smem:$0x3FFE];
	[sflag:s23] =	ssyncadd.s32 $0xFFFFFFFF  }
0xa7: {  	s26 =	simm.s32 $execute0_lowered;
	[smem:$0x3FD2] =	sst s25  }
0xa8: {  	s7 =	sshll.u32 s26, $0x1;
	_ =	strace $0x80000046;
	[dreg:$0x1] =	wrdreg $0xFFFFFFFF  }
0xa9: {  	s28 =	simm.s32 $_size_execute0_lowered;
	s5 =	sadd.s32 s5, s7;
	[dreg:$0x0] =	wrdreg $0x0  }
0xaa: {  	s7 =	sshll.u32 s28, $0x1;
	[dreg:$0x2] =	wrdreg s5  }
0xab: {  	[dreg:$0x3] =	wrdreg s7  }
0xac: {  	[dreg:$0x4] =	wrdreg $0xC0  }
0xad: {  	_ =	task [dreg:s9], $0x5FFFF  }
0xae: {  	[dreg:$0x1] =	wrdreg $0xFFFFFFFF  }
0xaf: {  	[dreg:$0x0] =	wrdreg $0x60  }
0xb0: {  	[dreg:$0x2] =	wrdreg s2  }
0xb1: {  	[dreg:$0x3] =	wrdreg s18  }
0xb2: {  	[dreg:$0x4] =	wrdreg s24  }
0xb3: {  	[dreg:$0x5] =	wrdreg s4  }
0xb4: {  	[dreg:$0x6] =	wrdreg $0x9  }
0xb5: {  	_ =	task.clear_ibuf [dreg:s9], $0x7FFFF;
	_ =	strace $0x90000046  }
0xb6: {  	s29 =	simm.s32 $0x9;
	_ =	strace $0x80000048  }
0xb7: {  	_ =	swait.ge [sflag:s29], $0x1  }
0xb8: {  	[sflag:s29] =	ssyncadd.s32 $0xFFFFFFFF  }
0xb9: {  	_ =	strace $0x90000048  }
0xba: {  	_ =	sfence  }
0xbb: {  	s30 =	sld [smem:$0x0];
	_ =	sdelay $0x2  }
0xbc: {  	s31 =	sshll.u32 s1, $0xD;
	s1 =	sshrl.u32 s1, $0x2  }
0xbd: {  	s3 =	sand.u32 $0x4000, s31;
	s1 =	sadd.s32 s1, s30  }
0xbe: {  	s0 =	sor.u32 s3, s0;
	s1 =	sshll.u32 s1, $0x11  }
0xbf: {  	s0 =	sor.u32 s1, s0  }
0xc0: {  	s0 =	sadd.s32 $0x8F2B, s0  }
0xc1: {  	[sflag:s0] =	ssyncadd.remote.s32 $0x1  }
0xc2: {  	_ =	sfence.sel $0xFFFF  }
0xc3: {  	[dreg:$0x0] =	wrdreg $0xFFFFFFFF;
	(pc) =	sbr.abs _section_cstart, $3  }
0xc4: {  	[dreg:$0x1] =	wrdreg $0xFFFFFFFF  }
0xc5: {  	_ =	task.clear_ibuf [dreg:s9], $0x2FFFF;
	_ =	strace $0x9FFFFFFF  }
0xc6: {  	(tm) =	ssettm $0x7FFFFFFF  }
0xc7: {  	_ =	shalt  }
tec
execute0_lowered:
.L_overlay_start_1:
0x0: {  	(tag) =	ssettag $0x1  }
0x1: {  	s5 =	rddreg [dreg:$0x0]  }
0x2: {  	s4 =	rddreg [dreg:$0x1]  }
0x3: {  	s6 =	rddreg [dreg:$0x2]  }
0x4: {  	s7 =	rddreg [dreg:$0x3]  }
0x5: {  	s0 =	rddreg [dreg:$0x4];
	s3 =	srdreg.scid  }
0x6: {  	s2 =	simm.s32 $0x0;
	s1 =	stileid.u32;
	s13 =	simm.s32 $0x200  }
0x7: {  	s14 =	simm.s32 $0x400;
	s15 =	simm.s32 $0x2;
	s16 =	simm.s32 $0x80  }
0x8: {  	s17 =	simm.s32 $0x440;
	s18 =	simm.s32 $0x280;
	s19 =	simm.s32 $0x2440  }
0x9: {  	s20 =	simm.s32 $0x300;
	s21 =	simm.s32 $0x4440;
	s22 =	simm.s32 $0x380  }
0xa: {  	s23 =	simm.s32 $0x6440;
	s24 =	simm.s32 $0x1;
	s25 =	simm.s32 $0x0  }
0xb: {  	s3 =	sand.u32 $0x1, s3;
	[smem:$0x7FF] =	sst s2;
	s8 =	sshll.u32 s1, $0xA  }
0xc: {  	s9 =	sshll.u32 s3, $0x9;
	_ =	strace $0x80000047;
	s10 =	ssub.s32 $0x2, s3  }
0xd: {  	s3 =	sadd.s32 $0xF42A00, s6;
	s8 =	sor.u32 s9, s8;
	s31 =	sshrl.u32 s10, $0x1  }
0xe: {  	s6 =	sadd.s32 $0x16E3C00, s6;
	s11 =	sshrl.u32 s8, $0x3;
	s12 =	ssub.s32 s10, s31  }
0xf: {  	s8 =	sshll.u32 s8, $0x3;
	s4 =	sadd.s32 s4, s11;
	s5 =	sadd.s32 s5, s11  }
0x10: {  	s7 =	sadd.s32 s7, s8;
	s11 =	smax.u32 s12, $0x1;
	s12 =	simm.s32 $0x3  }
0x11: {  	s8 =	sadd.s32 $0x400, s7;
	s9 =	sadd.s32 $0x800, s7;
	s10 =	sadd.s32 $0xC00, s7  }
.LBB2_1:
0x12: {  	[tilespmem:s2], [sflag:$0x3] =	stream.linear.gather [hbm4b:s4+s2], $0x200, $0x38;
	[tilespmem:$0x8440] =	vst v63  }
0x13: {  	_ =	swait.ge [sflag:s12], $0x200  }
0x14: {  	[sflag:s12] =	ssyncset.done $0x0  }
0x15: {  	[sflag:s12] =	ssyncadd.s32 $0xFFFFFE00  }
0x16: {  	[tilespmem:s13], [sflag:$0x3] =	stream.linear.gather [hbm4b:s5+s2], $0x200, $0x38;
	[tilespmem:$0x8440] =	vst v63  }
0x17: {  	_ =	swait.ge [sflag:s12], $0x200  }
0x18: {  	[sflag:s12] =	ssyncset.done $0x0  }
0x19: {  	[sflag:s12] =	ssyncadd.s32 $0xFFFFFE00  }
0x1a: {  	[tilespmem:s14], [sflag:$0x2] =	stream.linear.gather [hbm4b:s6+s2], $0x40, $0x38;
	[tilespmem:$0x8440] =	vst v63  }
0x1b: {  	_ =	swait.ge [sflag:s15], $0x40  }
0x1c: {  	[sflag:s15] =	ssyncset.done $0x0  }
0x1d: {  	[sflag:s15] =	ssyncadd.s32 $0xFFFFFFC0  }
0x1e: {  	[tilespmem:s17], [sflag:$0x1] =	stream.indirect.gather [hbm4b:s3+s16], $0x40, s13, s16, $0xb8;
	[tilespmem:$0x8440] =	vst v63  }
0x1f: {  	_ = 	snop  }
0x20: {  	[tilespmem:s19], [sflag:$0x1] =	stream.indirect.gather [hbm4b:s3+s16], $0x40, s18, s16, $0xb8;
	[tilespmem:$0x8440] =	vst v63  }
0x21: {  	_ = 	snop  }
0x22: {  	[tilespmem:s21], [sflag:$0x1] =	stream.indirect.gather [hbm4b:s3+s16], $0x40, s20, s16, $0xb8;
	[tilespmem:$0x8440] =	vst v63  }
0x23: {  	_ = 	snop  }
0x24: {  	[tilespmem:s23], [sflag:$0x1] =	stream.indirect.gather [hbm4b:s3+s16], $0x40, s22, s16, $0xb8;
	[tilespmem:$0x8440] =	vst v63  }
0x25: {  	_ =	swait.ge [sflag:s24], $0x2000  }
0x26: {  	[sflag:s24] =	ssyncset.done $0x0  }
0x27: {  	[sflag:s24] =	ssyncadd.s32 $0xFFFFE000  }
0x28: {  	_ =	swait.ge [sflag:s24], $0x2000  }
0x29: {  	[sflag:s24] =	ssyncset.done $0x0  }
0x2a: {  	[sflag:s24] =	ssyncadd.s32 $0xFFFFE000  }
0x2b: {  	_ =	swait.ge [sflag:s24], $0x2000  }
0x2c: {  	[sflag:s24] =	ssyncset.done $0x0  }
0x2d: {  	[sflag:s24] =	ssyncadd.s32 $0xFFFFE000  }
0x2e: {  	_ =	swait.ge [sflag:s24], $0x2000  }
0x2f: {  	[sflag:s24] =	ssyncset.done $0x0  }
0x30: {  	[sflag:s24] =	ssyncadd.s32 $0xFFFFE000  }
0x31: {  	v0 =	vld [tilespmem:$0x400]  }
0x32: {  	v1 =	vld [tilespmem:$0x410]  }
0x33: {  	v2 =	vld [tilespmem:$0x420]  }
0x34: {  	s26 =	simm.s32 $0x0;
	s28 =	simm.s32 $0x0;
	v3 =	vld [tilespmem:$0x430]  }
.LBB2_2:
0x35: {  	v4 =	vld [tilespmem:s26+$0x0];
	_ =	sdelay $0x4  }
0x36: {  	(v2sf) =	vpush v4, $0x0;
	_ =	sdelay $0x3  }
0x37: {  	(v2sf) =	vpush v4, $0x1;
	_ =	sdelay $0x3  }
0x38: {  	(v2sf) =	vpush v4, $0x2;
	_ =	sdelay $0x3  }
0x39: {  	(v2sf) =	vpush v4, $0x3;
	_ =	sdelay $0x2  }
0x3a: {  	s29 =	spop (v2sf)  }
0x3b: {  	(v2sf) =	vpush v4, $0x4;
	p0 =	sne.s32 s29, $0x1  }
0x3c: {  	s29 =	sshrl.u32 @!p0 s28, $0x2  }
0x3d: {  	s29 =	sand.u32 @!p0 $0x7C00, s29  }
0x3e: {  	s30 =	spop (v2sf);
	[tilespmem:s29+$0x440] =	vst @!p0 v0  }
0x3f: {  	(v2sf) =	vpush v4, $0x5;
	p1 =	sne.s32 s30, $0x1;
	[tilespmem:s29+$0x450] =	vst @!p0 v1  }
0x40: {  	s30 =	sshrl.u32 @!p1 s28, $0x2;
	[tilespmem:s29+$0x460] =	vst @!p0 v2  }
0x41: {  	[tilespmem:s29+$0x470] =	vst @!p0 v3;
	s29 =	sand.u32 @!p1 $0x7C00, s30  }
0x42: {  	s31 =	spop (v2sf);
	[tilespmem:s29+$0x480] =	vst @!p1 v0  }
0x43: {  	(v2sf) =	vpush v4, $0x6;
	p0 =	sne.s32 s31, $0x1;
	[tilespmem:s29+$0x490] =	vst @!p1 v1  }
0x44: {  	[tilespmem:s29+$0x4A0] =	vst @!p1 v2;
	s30 =	sshrl.u32 @!p0 s28, $0x2  }
0x45: {  	[tilespmem:s29+$0x4B0] =	vst @!p1 v3;
	s29 =	sand.u32 @!p0 $0x7C00, s30  }
0x46: {  	s31 =	spop (v2sf);
	[tilespmem:s29+$0x4C0] =	vst @!p0 v0  }
0x47: {  	(v2sf) =	vpush v4, $0x7;
	p1 =	sne.s32 s31, $0x1;
	[tilespmem:s29+$0x4D0] =	vst @!p0 v1  }
0x48: {  	s30 =	sshrl.u32 @!p1 s28, $0x2;
	[tilespmem:s29+$0x4E0] =	vst @!p0 v2  }
0x49: {  	[tilespmem:s29+$0x4F0] =	vst @!p0 v3;
	s29 =	sand.u32 @!p1 $0x7C00, s30  }
0x4a: {  	[tilespmem:s29+$0x500] =	vst @!p1 v0;
	s31 =	spop (v2sf)  }
0x4b: {  	[tilespmem:s29+$0x510] =	vst @!p1 v1;
	(v2sf) =	vpush v4, $0x8;
	p0 =	sne.s32 s31, $0x1  }
0x4c: {  	[tilespmem:s29+$0x520] =	vst @!p1 v2;
	s30 =	sshrl.u32 @!p0 s28, $0x2  }
0x4d: {  	[tilespmem:s29+$0x530] =	vst @!p1 v3;
	s29 =	sand.u32 @!p0 $0x7C00, s30  }
0x4e: {  	s31 =	spop (v2sf);
	[tilespmem:s29+$0x540] =	vst @!p0 v0  }
0x4f: {  	(v2sf) =	vpush v4, $0x9;
	p1 =	sne.s32 s31, $0x1;
	[tilespmem:s29+$0x550] =	vst @!p0 v1  }
0x50: {  	s30 =	sshrl.u32 @!p1 s28, $0x2;
	[tilespmem:s29+$0x560] =	vst @!p0 v2  }
0x51: {  	[tilespmem:s29+$0x570] =	vst @!p0 v3;
	s29 =	sand.u32 @!p1 $0x7C00, s30  }
0x52: {  	s31 =	spop (v2sf);
	[tilespmem:s29+$0x580] =	vst @!p1 v0  }
0x53: {  	(v2sf) =	vpush v4, $0xA;
	p0 =	sne.s32 s31, $0x1;
	[tilespmem:s29+$0x590] =	vst @!p1 v1  }
0x54: {  	[tilespmem:s29+$0x5A0] =	vst @!p1 v2;
	s30 =	sshrl.u32 @!p0 s28, $0x2  }
0x55: {  	[tilespmem:s29+$0x5B0] =	vst @!p1 v3;
	s29 =	sand.u32 @!p0 $0x7C00, s30  }
0x56: {  	s31 =	spop (v2sf);
	[tilespmem:s29+$0x5C0] =	vst @!p0 v0  }
0x57: {  	(v2sf) =	vpush v4, $0xB;
	p1 =	sne.s32 s31, $0x1;
	[tilespmem:s29+$0x5D0] =	vst @!p0 v1  }
0x58: {  	s30 =	sshrl.u32 @!p1 s28, $0x2;
	[tilespmem:s29+$0x5E0] =	vst @!p0 v2  }
0x59: {  	[tilespmem:s29+$0x5F0] =	vst @!p0 v3;
	s29 =	sand.u32 @!p1 $0x7C00, s30  }
0x5a: {  	[tilespmem:s29+$0x600] =	vst @!p1 v0;
	s31 =	spop (v2sf)  }
0x5b: {  	[tilespmem:s29+$0x610] =	vst @!p1 v1;
	(v2sf) =	vpush v4, $0xC;
	p0 =	sne.s32 s31, $0x1  }
0x5c: {  	[tilespmem:s29+$0x620] =	vst @!p1 v2;
	s30 =	sshrl.u32 @!p0 s28, $0x2  }
0x5d: {  	[tilespmem:s29+$0x630] =	vst @!p1 v3;
	s29 =	sand.u32 @!p0 $0x7C00, s30  }
0x5e: {  	s31 =	spop (v2sf);
	[tilespmem:s29+$0x640] =	vst @!p0 v0  }
0x5f: {  	(v2sf) =	vpush v4, $0xD;
	p1 =	sne.s32 s31, $0x1;
	[tilespmem:s29+$0x650] =	vst @!p0 v1  }
0x60: {  	s30 =	sshrl.u32 @!p1 s28, $0x2;
	[tilespmem:s29+$0x660] =	vst @!p0 v2  }
0x61: {  	[tilespmem:s29+$0x670] =	vst @!p0 v3;
	s29 =	sand.u32 @!p1 $0x7C00, s30  }
0x62: {  	s31 =	spop (v2sf);
	[tilespmem:s29+$0x680] =	vst @!p1 v0  }
0x63: {  	(v2sf) =	vpush v4, $0xE;
	p0 =	sne.s32 s31, $0x1;
	[tilespmem:s29+$0x690] =	vst @!p1 v1  }
0x64: {  	[tilespmem:s29+$0x6A0] =	vst @!p1 v2;
	s30 =	sshrl.u32 @!p0 s28, $0x2  }
0x65: {  	[tilespmem:s29+$0x6B0] =	vst @!p1 v3;
	s29 =	sand.u32 @!p0 $0x7C00, s30  }
0x66: {  	s31 =	spop (v2sf);
	[tilespmem:s29+$0x6C0] =	vst @!p0 v0  }
0x67: {  	(v2sf) =	vpush v4, $0xF;
	p1 =	sne.s32 s31, $0x1;
	[tilespmem:s29+$0x6D0] =	vst @!p0 v1  }
0x68: {  	s30 =	sshrl.u32 @!p1 s28, $0x2;
	[tilespmem:s29+$0x6E0] =	vst @!p0 v2  }
0x69: {  	[tilespmem:s29+$0x6F0] =	vst @!p0 v3;
	s29 =	sand.u32 @!p1 $0x7C00, s30  }
0x6a: {  	[tilespmem:s29+$0x700] =	vst @!p1 v0;
	s31 =	spop (v2sf)  }
0x6b: {  	[tilespmem:s29+$0x710] =	vst @!p1 v1;
	p0 =	sne.s32 s31, $0x1  }
0x6c: {  	[tilespmem:s29+$0x720] =	vst @!p1 v2;
	s30 =	sshrl.u32 @!p0 s28, $0x2  }
0x6d: {  	[tilespmem:s29+$0x730] =	vst @!p1 v3;
	s29 =	sand.u32 @!p0 $0x7C00, s30  }
0x6e: {  	s31 =	spop (v2sf);
	[tilespmem:s29+$0x740] =	vst @!p0 v0  }
0x6f: {  	p1 =	sne.s32 s31, $0x1;
	[tilespmem:s29+$0x750] =	vst @!p0 v1  }
0x70: {  	s30 =	sshrl.u32 @!p1 s28, $0x2;
	[tilespmem:s29+$0x760] =	vst @!p0 v2  }
0x71: {  	[tilespmem:s29+$0x770] =	vst @!p0 v3;
	s29 =	sand.u32 @!p1 $0x7C00, s30  }
0x72: {  	s31 =	spop (v2sf);
	[tilespmem:s29+$0x780] =	vst @!p1 v0  }
0x73: {  	p0 =	sne.s32 s31, $0x1;
	[tilespmem:s29+$0x790] =	vst @!p1 v1  }
0x74: {  	[tilespmem:s29+$0x7A0] =	vst @!p1 v2;
	s30 =	sshrl.u32 @!p0 s28, $0x2  }
0x75: {  	[tilespmem:s29+$0x7B0] =	vst @!p1 v3;
	s29 =	sand.u32 @!p0 $0x7C00, s30  }
0x76: {  	s31 =	spop (v2sf);
	[tilespmem:s29+$0x7C0] =	vst @!p0 v0  }
0x77: {  	p1 =	sne.s32 s31, $0x1;
	[tilespmem:s29+$0x7D0] =	vst @!p0 v1  }
0x78: {  	s30 =	sshrl.u32 @!p1 s28, $0x2;
	s28 =	sadd.s32 $0x1000, s28;
	[tilespmem:s29+$0x7E0] =	vst @!p0 v2  }
0x79: {  	[tilespmem:s29+$0x7F0] =	vst @!p0 v3;
	p0 =	sne.s32 s28, $0x20000  }
.Ltmp0:
0x7a: {  	s29 =	sand.u32 @!p1 $0x7C00, s30;
	(pc) =	sbr.rel @p0 .LBB2_2-.Ltmp0, $4  }
0x7b: {  	[tilespmem:s29+$0x800] =	vst @!p1 v0  }
0x7c: {  	[tilespmem:s29+$0x810] =	vst @!p1 v1  }
0x7d: {  	[tilespmem:s29+$0x820] =	vst @!p1 v2  }
0x7e: {  	s26 =	sadd.s32 $0x10, s26;
	[tilespmem:s29+$0x830] =	vst @!p1 v3  }
0x7f: {  	[hbm4b:s7+s2] =	stream.linear.scatter [tilespmem:s17], [sflag:$0x3], $0x2000, $0x38;
	[tilespmem:$0x8440] =	vst v63  }
0x80: {  	_ =	swait.ge [sflag:s12], $0x2000  }
0x81: {  	[sflag:s12] =	ssyncset.done $0x0  }
0x82: {  	[sflag:s12] =	ssyncadd.s32 $0xFFFFE000  }
0x83: {  	[hbm4b:s8+s2] =	stream.linear.scatter [tilespmem:s19], [sflag:$0x3], $0x2000, $0x38;
	[tilespmem:$0x8440] =	vst v63  }
0x84: {  	_ =	swait.ge [sflag:s12], $0x2000  }
0x85: {  	[sflag:s12] =	ssyncset.done $0x0  }
0x86: {  	[sflag:s12] =	ssyncadd.s32 $0xFFFFE000  }
0x87: {  	[hbm4b:s9+s2] =	stream.linear.scatter [tilespmem:s21], [sflag:$0x3], $0x2000, $0x38;
	[tilespmem:$0x8440] =	vst v63  }
0x88: {  	s25 =	sadd.s32 $0x1, s25;
	_ =	swait.ge [sflag:s12], $0x2000  }
0x89: {  	p0 =	sne.s32 s25, s11;
	[sflag:s12] =	ssyncset.done $0x0  }
.Ltmp1:
0x8a: {  	[sflag:s12] =	ssyncadd.s32 $0xFFFFE000;
	(pc) =	sbr.rel @p0 .LBB2_1-.Ltmp1, $4  }
0x8b: {  	[hbm4b:s10+s2] =	stream.linear.scatter [tilespmem:s23], [sflag:$0x3], $0x2000, $0x38;
	[tilespmem:$0x8440] =	vst v63  }
0x8c: {  	_ =	swait.ge [sflag:s12], $0x2000  }
0x8d: {  	[sflag:s12] =	ssyncset.done $0x0  }
0x8e: {  	[sflag:s12] =	ssyncadd.s32 $0xFFFFE000  }
0x8f: {  	_ =	sfence.sel $0x180000  }
0x90: {  	[bflag:$0x0] =	sbarrier.arrive $0xFFFF  }
0x91: {  	p0 =	sne.s32 s1, $0x0;
	_ =	strace $0x90000047  }
0x92: {  	s0 =	sadd.s32 @!p0 $0x100000, s0;
	[bflag:$0x2] =	sbarrier.arrive $0xFFFF  }
0x93: {  	[sflag:s0] =	ssyncadd.tile.s32 @!p0 $0x1;
	_ =	shalt  }
.Lfunc_end2:
_tile_overlayer_lowered:
.L_overlay_start_2:
0x94: {  	(tag) =	ssettag $0x2  }
0x95: {  	s0 =	rddreg [dreg:$0x0];
	s2 =	stileid.u32  }
0x96: {  	s1 =	rddreg [dreg:$0x1];
	p0 =	sne.s32 s2, $0x0  }
0x97: {  	s3 =	rddreg [dreg:$0x2];
	[bflag:$0x3] =	sbarrier.arrive $0xFFFF;
	s2 =	simm.s32 @!p0 $0x1C03  }
0x98: {  	[timem:s3], [sflag:s2] =	dma.local @!p0 [hbm:s0], s1  }
0x99: {  	s0 =	simm.s32 @!p0 $0x3  }
0x9a: {  	_ =	swait.ge @!p0 [sflag:s0], s1  }
0x9b: {  	s1 =	ssub.s32 @!p0 $0x0, s1;
	[sflag:s0] =	ssyncset.done @!p0 $0x0  }
0x9c: {  	[sflag:s0] =	ssyncadd.s32 @!p0 s1  }
0x9d: {  	[bflag:$0x3] =	sbarrier.arrive $0xFFFF  }
0x9e: {  	_ =	shalt  }

</sc_bundles>
